<compile_context>
chip_gen: v7x
topology: tpu7x:2x2x1
jax: 0.10.2.dev20260603
libtpu: 0.0.44.dev20260713+nightly
codegen_flags: <defaults>
</compile_context>

<pallas_src>
import jax
import jax.numpy as jnp
from jax import lax
from jax.experimental import pallas as pl
from jax.experimental.pallas import tpu as pltpu
from jax.experimental.pallas import tpu_sc as plsc

B, P, E, F = 16, 512, 512, 4096
L = 16
NW = 32
FW = (B * F) // NW
CH = 32
NCH = FW // CH
NBUF = 4
FPB = F // FW


def _sc_body(x_hbm, vi_hbm, out_hbm, mask_hbm, idx_v,
             r0_v, r1_v, r2_v, r3_v, accs_v, mask_v,
             si0, si1, si2, si3, so0, so1, so2, so3):
    rows = (r0_v, r1_v, r2_v, r3_v)
    isems = (si0, si1, si2, si3)
    osems = (so0, so1, so2, so3)

    wid = lax.axis_index("c") * 16 + lax.axis_index("s")
    base = wid * FW
    off = (wid // FPB) * P

    pltpu.sync_copy(vi_hbm.at[pl.ds(base, FW)], idx_v)

    def add_off(i, carry):
        idx_v[pl.ds(i * L, L)] = idx_v[pl.ds(i * L, L)] + off
        return carry

    lax.fori_loop(0, FW // L, add_off, 0)

    def gather(c, b):
        return pltpu.async_copy(
            x_hbm.at[idx_v.at[pl.ds(c * CH, CH)]], rows[b], isems[b])

    def putout(c, b):
        return pltpu.async_copy(
            rows[b], out_hbm.at[pl.ds(base + c * CH, CH)], osems[b])

    gather(0, 0)
    gather(1, 1)

    @pl.loop(0, NCH, step=NBUF)
    def step(c):
        for b in range(NBUF):
            j = c + b
            b2 = (b + 2) % NBUF
            @pl.when(j >= 2)
            def _():
                pltpu.make_async_copy(
                    rows[b2], out_hbm.at[pl.ds(base, CH)], osems[b2]).wait()
            @pl.when(j + 2 < NCH)
            def _():
                gather(j + 2, b2)

            pltpu.make_async_copy(
                x_hbm.at[idx_v.at[pl.ds(0, CH)]], rows[b], isems[b]).wait()

            putout(j, b)

            rv = rows[b]

            def row_body(r, rcarry):
                acc = rv[r, pl.ds(0, L)]
                for k in range(1, E // L):
                    acc = acc + rv[r, pl.ds(k * L, L)]
                plsc.store_scatter(accs_v, [lax.iota(jnp.int32, L) * CH + r], acc)
                return rcarry

            lax.fori_loop(0, CH, row_body, 0)

            for g in range(CH // L):
                tot = accs_v[pl.ds(g * L, L)]
                for k in range(1, L):
                    tot = tot + accs_v[pl.ds(k * CH + g * L, L)]
                mask_v[pl.ds(j * CH + g * L, L)] = jnp.where(tot != 0.0, 1, 0)

    for jj in (NCH - 2, NCH - 1):
        b = jj % NBUF
        pltpu.make_async_copy(
            rows[b], out_hbm.at[pl.ds(base, CH)], osems[b]).wait()

    pltpu.sync_copy(mask_v, mask_hbm.at[pl.ds(base, FW)])


def kernel(x, durations, val_ind):
    del durations
    xf = x.reshape(B * P, E)
    vif = val_ind.reshape(B * F)
    mesh = plsc.VectorSubcoreMesh(core_axis_name="c", subcore_axis_name="s")
    out, mask = pl.kernel(
        _sc_body,
        mesh=mesh,
        compiler_params=pltpu.CompilerParams(needs_layout_passes=False),
        out_type=(
            jax.ShapeDtypeStruct((B * F, E), jnp.float32),
            jax.ShapeDtypeStruct((B * F,), jnp.int32),
        ),
        scratch_types=[
            pltpu.VMEM((FW,), jnp.int32),
            pltpu.VMEM((CH, E), jnp.float32),
            pltpu.VMEM((CH, E), jnp.float32),
            pltpu.VMEM((CH, E), jnp.float32),
            pltpu.VMEM((CH, E), jnp.float32),
            pltpu.VMEM((L * CH,), jnp.float32),
            pltpu.VMEM((FW,), jnp.int32),
            pltpu.SemaphoreType.DMA,
            pltpu.SemaphoreType.DMA,
            pltpu.SemaphoreType.DMA,
            pltpu.SemaphoreType.DMA,
            pltpu.SemaphoreType.DMA,
            pltpu.SemaphoreType.DMA,
            pltpu.SemaphoreType.DMA,
            pltpu.SemaphoreType.DMA,
        ],
    )(xf, vif)
    return out.reshape(B, F, E), mask.reshape(B, F).astype(jnp.bool_)

# --- scband reference (transcript-rebuilt; emitter-appended) ---
"""Pipeline reference for scband-length-regulator-13408887898324 (READ-ONLY COPY).

The authoritative reference and input builder live on the scoring server;
editing this copy changes nothing except your own understanding.
"""

import jax, jax.numpy as jnp
import numpy as np


def setup_inputs(seed: int = 0) -> dict:
    key = jax.random.key(seed)
    k1, k2, k3 = jax.random.split(key, 3)
    B, P, E, F = 16, 512, 512, 4096
    x = jax.random.normal(k1, (B, P, E), dtype=jnp.float32)
    durations = jax.random.randint(k2, (B, P), 0, 20, dtype=jnp.int32)
    val_ind = jax.random.randint(k3, (B, F), 0, P, dtype=jnp.int32)
    return {"x": x, "durations": durations, "val_ind": val_ind}


def reference(x, durations, val_ind):
    # LengthRegulator.forward
    B, P, E = x.shape
    # ind = val_ind + MAX_PHONES * arange(BATCH_SIZE)[:, None]
    ind = val_ind + P * jnp.arange(B, dtype=val_ind.dtype)[:, None]
    # val = x.reshape(-1, EMB_DIM); F.embedding(ind, val, padding_idx=0) is a row gather
    val = x.reshape((-1, E))
    out = jnp.take(val, ind, axis=0)
    tgt_mask = out.sum(-1) != 0
    return (out, tgt_mask)

if __name__ == "__main__":
    import jax
    _d = setup_inputs()
    print(jax.jit(kernel)(*tuple(_d.values())))

</pallas_src>

<mosaic_0001>
#map = affine_map<(d0, d1) -> (0, 0)>
#map1 = affine_map<(d0, d1) -> (0)>
module attributes {stable_mosaic.version = 14 : i64} {
  func.func @_sc_body(%arg0: i32, %arg1: i32, %arg2: memref<8192x512xf32, #tpu.memory_space<hbm>>, %arg3: memref<65536xi32, #tpu.memory_space<hbm>>, %arg4: memref<65536x512xf32, #tpu.memory_space<hbm>>, %arg5: memref<65536xi32, #tpu.memory_space<hbm>>, %arg6: memref<2048xi32, #tpu.memory_space<vmem>>, %arg7: memref<32x512xf32, #tpu.memory_space<vmem>>, %arg8: memref<32x512xf32, #tpu.memory_space<vmem>>, %arg9: memref<32x512xf32, #tpu.memory_space<vmem>>, %arg10: memref<32x512xf32, #tpu.memory_space<vmem>>, %arg11: memref<512xf32, #tpu.memory_space<vmem>>, %arg12: memref<2048xi32, #tpu.memory_space<vmem>>, %arg13: memref<!tpu.dma_semaphore, #tpu.memory_space<semaphore_mem>>, %arg14: memref<!tpu.dma_semaphore, #tpu.memory_space<semaphore_mem>>, %arg15: memref<!tpu.dma_semaphore, #tpu.memory_space<semaphore_mem>>, %arg16: memref<!tpu.dma_semaphore, #tpu.memory_space<semaphore_mem>>, %arg17: memref<!tpu.dma_semaphore, #tpu.memory_space<semaphore_mem>>, %arg18: memref<!tpu.dma_semaphore, #tpu.memory_space<semaphore_mem>>, %arg19: memref<!tpu.dma_semaphore, #tpu.memory_space<semaphore_mem>>, %arg20: memref<!tpu.dma_semaphore, #tpu.memory_space<semaphore_mem>>) attributes {dimension_semantics = [#tpu.dimension_semantics<core_parallel>, #tpu.dimension_semantics<subcore_parallel>], iteration_bounds = array<i64: 2, 16>, scalar_prefetch = 0 : i64, scratch_operands = 15 : i64, tpu.core_type = #tpu.core_type<sc_vector_subcore>, window_params = [{transform_indices = #map}, {transform_indices = #map1}, {transform_indices = #map}, {transform_indices = #map1}]} {
    %mul3A = arith.constant 16 : i32
    %mul3A_0 = arith.muli %arg0, %mul3A : i32
    %add3A = arith.addi %mul3A_0, %arg1 : i32
    %mul3A_1 = arith.constant 2048 : i32
    %mul3A_2 = arith.muli %add3A, %mul3A_1 : i32
    %jit3A = arith.constant 2 : i32
    %div3A = arith.divsi %add3A, %jit3A : i32
    %sign3A = arith.constant 0 : i32
    %sign3A_3 = arith.cmpi sgt, %add3A, %sign3A : i32
    %sign3A_4 = arith.extui %sign3A_3 : i1 to i32
    %sign3A_5 = arith.constant 0 : i32
    %sign3A_6 = arith.cmpi slt, %add3A, %sign3A_5 : i32
    %sign3A_7 = arith.extui %sign3A_6 : i1 to i32
    %sign3A_8 = arith.subi %sign3A_4, %sign3A_7 : i32
    %sign3A_9 = arith.constant 0 : i32
    %sign3A_10 = arith.cmpi sgt, %jit3A, %sign3A_9 : i32
    %sign3A_11 = arith.extui %sign3A_10 : i1 to i32
    %sign3A_12 = arith.constant 0 : i32
    %sign3A_13 = arith.cmpi slt, %jit3A, %sign3A_12 : i32
    %sign3A_14 = arith.extui %sign3A_13 : i1 to i32
    %sign3A_15 = arith.subi %sign3A_11, %sign3A_14 : i32
    %ne3A = arith.cmpi ne, %sign3A_8, %sign3A_15 : i32
    %rem3A = arith.remsi %add3A, %jit3A : i32
    %ne3A_16 = arith.constant 0 : i32
    %ne3A_17 = arith.cmpi ne, %rem3A, %ne3A_16 : i32
    %and3A = arith.andi %ne3A, %ne3A_17 : i1
    %sub3A = arith.constant 1 : i32
    %sub3A_18 = arith.subi %div3A, %sub3A : i32
    %select_n3A = arith.select %and3A, %sub3A_18, %div3A : i32
    %mul3A_19 = arith.constant 512 : i32
    %mul3A_20 = arith.muli %select_n3A, %mul3A_19 : i32
    "tpu.region"() ({
      %run_scoped3A = tpu.sem_alloc : memref<!tpu.dma_semaphore, #tpu.memory_space<semaphore_mem>>
      %dma_start3A_47 = tpu.memref_slice %arg3[%mul3A_2] : memref<65536xi32, #tpu.memory_space<hbm>> -> memref<2048xi32, #tpu.memory_space<hbm>>
      %dma_start3A_48 = tpu.memref_slice %arg3[%mul3A_2] : memref<65536xi32, #tpu.memory_space<hbm>> -> memref<2048xi32, #tpu.memory_space<hbm>>
      tpu.enqueue_dma source(%dma_start3A_48 : memref<2048xi32, #tpu.memory_space<hbm>>) target(%arg6 : memref<2048xi32, #tpu.memory_space<vmem>>) target_semaphore(%run_scoped3A : memref<!tpu.dma_semaphore, #tpu.memory_space<semaphore_mem>>)
      %dma_wait3A_49 = tpu.memref_slice %arg3[%mul3A_2] : memref<65536xi32, #tpu.memory_space<hbm>> -> memref<2048xi32, #tpu.memory_space<hbm>>
      %dma_wait3A_50 = tpu.memref_slice %arg3[%mul3A_2] : memref<65536xi32, #tpu.memory_space<hbm>> -> memref<2048xi32, #tpu.memory_space<hbm>>
      tpu.wait_dma2 semaphore(%run_scoped3A : memref<!tpu.dma_semaphore, #tpu.memory_space<semaphore_mem>>) src(%dma_wait3A_50 : memref<2048xi32, #tpu.memory_space<hbm>>) dst(%arg6 : memref<2048xi32, #tpu.memory_space<vmem>>)
      tpu.yield
    }) : () -> ()
    %scan3A = arith.constant 0 : i32
    %scan3A_21 = arith.constant 0 : i32
    %scan3A_22 = arith.constant 128 : i32
    %scan3A_23 = arith.addi %scan3A_21, %scan3A_22 : i32
    %scan3A_24 = arith.constant 1 : i32
    scf.for %scan3A_47 = %scan3A_21 to %scan3A_23 step %scan3A_24  : i32 {
      %mul3A_48 = arith.constant 16 : i32
      %mul3A_49 = arith.muli %scan3A_47, %mul3A_48 : i32
      %get3A = arith.index_cast %mul3A_49 : i32 to index
      %get3A_50 = tpu.vector_load %arg6[%get3A] {strides = array<i32>} : memref<2048xi32, #tpu.memory_space<vmem>>, vector<16xi32>,
      %add3A_51 = vector.broadcast %mul3A_20 : i32 to vector<16xi32>
      %add3A_52 = arith.addi %get3A_50, %add3A_51 : vector<16xi32>
      %mul3A_53 = arith.constant 16 : i32
      %mul3A_54 = arith.muli %scan3A_47, %mul3A_53 : i32
      %swap3A = arith.index_cast %mul3A_54 : i32 to index
      %swap3A_55 = tpu.vector_load %arg6[%swap3A] {strides = array<i32>} : memref<2048xi32, #tpu.memory_space<vmem>>, vector<16xi32>,
      tpu.vector_store %arg6[%swap3A], %add3A_52 {strides = array<i32>} : memref<2048xi32, #tpu.memory_space<vmem>>, vector<16xi32>,
    }
    %scan3A_25 = arith.constant 128 : i32
    %dma_start3A = arith.constant 0 : i32
    %dma_start3A_26 = tpu.memref_slice %arg6[%dma_start3A] : memref<2048xi32, #tpu.memory_space<vmem>> -> memref<32xi32, #tpu.memory_space<vmem>>
    %dma_start3A_27 = arith.constant 0 : i32
    %dma_start3A_28 = arith.constant 0 : i32
    %dma_start3A_29 = tpu.memref_slice %arg2[%dma_start3A_27, %dma_start3A_28] : memref<8192x512xf32, #tpu.memory_space<hbm>> -> memref<8192x512xf32, #tpu.memory_space<hbm>>
    tpu.enqueue_indirect_dma source(%dma_start3A_29 : memref<8192x512xf32, #tpu.memory_space<hbm>>) target(%arg7 : memref<32x512xf32, #tpu.memory_space<vmem>>) offsets(%dma_start3A_26 : memref<32xi32, #tpu.memory_space<vmem>>) semaphore(%arg13 : memref<!tpu.dma_semaphore, #tpu.memory_space<semaphore_mem>>)
    %dma_start3A_30 = arith.constant 32 : i32
    %dma_start3A_31 = tpu.memref_slice %arg6[%dma_start3A_30] : memref<2048xi32, #tpu.memory_space<vmem>> -> memref<32xi32, #tpu.memory_space<vmem>>
    %dma_start3A_32 = arith.constant 0 : i32
    %dma_start3A_33 = arith.constant 0 : i32
    %dma_start3A_34 = tpu.memref_slice %arg2[%dma_start3A_32, %dma_start3A_33] : memref<8192x512xf32, #tpu.memory_space<hbm>> -> memref<8192x512xf32, #tpu.memory_space<hbm>>
    tpu.enqueue_indirect_dma source(%dma_start3A_34 : memref<8192x512xf32, #tpu.memory_space<hbm>>) target(%arg8 : memref<32x512xf32, #tpu.memory_space<vmem>>) offsets(%dma_start3A_31 : memref<32xi32, #tpu.memory_space<vmem>>) semaphore(%arg14 : memref<!tpu.dma_semaphore, #tpu.memory_space<semaphore_mem>>)
    %scan3A_35 = arith.constant 0 : i32
    %scan3A_36 = arith.constant 16 : i32
    %scan3A_37 = arith.addi %scan3A_35, %scan3A_36 : i32
    %scan3A_38 = arith.constant 1 : i32
    scf.for %scan3A_47 = %scan3A_35 to %scan3A_37 step %scan3A_38  : i32 {
      %mul3A_48 = arith.constant 4 : i32
      %mul3A_49 = arith.muli %scan3A_47, %mul3A_48 : i32
      %add3A_50 = arith.constant 0 : i32
      %add3A_51 = arith.addi %add3A_50, %mul3A_49 : i32
      %add3A_52 = arith.constant 0 : i32
      %add3A_53 = arith.addi %add3A_51, %add3A_52 : i32
      %ge3A = arith.constant 2 : i32
      %ge3A_54 = arith.cmpi sge, %add3A_53, %ge3A : i32
      %convert_element_type3A = arith.extui %ge3A_54 : i1 to i32
      %cond3A = arith.constant 0 : i32
      %cond3A_55 = arith.cmpi ne, %convert_element_type3A, %cond3A : i32
      scf.if %cond3A_55 {
        %dma_wait3A_661 = arith.constant 0 : i32
        %dma_wait3A_662 = tpu.memref_slice %arg4[%mul3A_2, %dma_wait3A_661] : memref<65536x512xf32, #tpu.memory_space<hbm>> -> memref<32x512xf32, #tpu.memory_space<hbm>>
        %dma_wait3A_663 = arith.constant 0 : i32
        %dma_wait3A_664 = tpu.memref_slice %arg4[%mul3A_2, %dma_wait3A_663] : memref<65536x512xf32, #tpu.memory_space<hbm>> -> memref<32x512xf32, #tpu.memory_space<hbm>>
        tpu.wait_dma2 semaphore(%arg19 : memref<!tpu.dma_semaphore, #tpu.memory_space<semaphore_mem>>) src(%arg9 : memref<32x512xf32, #tpu.memory_space<vmem>>) dst(%dma_wait3A_664 : memref<32x512xf32, #tpu.memory_space<hbm>>)
      } else {
      }
      %add3A_56 = arith.constant 2 : i32
      %add3A_57 = arith.addi %add3A_53, %add3A_56 : i32
      %lt3A = arith.constant 64 : i32
      %lt3A_58 = arith.cmpi slt, %add3A_57, %lt3A : i32
      %convert_element_type3A_59 = arith.extui %lt3A_58 : i1 to i32
      %cond3A_60 = arith.constant 0 : i32
      %cond3A_61 = arith.cmpi ne, %convert_element_type3A_59, %cond3A_60 : i32
      scf.if %cond3A_61 {
        %add3A_661 = arith.constant 2 : i32
        %add3A_662 = arith.addi %add3A_53, %add3A_661 : i32
        %mul3A_663 = arith.constant 32 : i32
        %mul3A_664 = arith.muli %add3A_662, %mul3A_663 : i32
        %dma_start3A_665 = tpu.memref_slice %arg6[%mul3A_664] : memref<2048xi32, #tpu.memory_space<vmem>> -> memref<32xi32, #tpu.memory_space<vmem>>
        %dma_start3A_666 = arith.constant 0 : i32
        %dma_start3A_667 = arith.constant 0 : i32
        %dma_start3A_668 = tpu.memref_slice %arg2[%dma_start3A_666, %dma_start3A_667] : memref<8192x512xf32, #tpu.memory_space<hbm>> -> memref<8192x512xf32, #tpu.memory_space<hbm>>
        tpu.enqueue_indirect_dma source(%dma_start3A_668 : memref<8192x512xf32, #tpu.memory_space<hbm>>) target(%arg9 : memref<32x512xf32, #tpu.memory_space<vmem>>) offsets(%dma_start3A_665 : memref<32xi32, #tpu.memory_space<vmem>>) semaphore(%arg15 : memref<!tpu.dma_semaphore, #tpu.memory_space<semaphore_mem>>)
      } else {
      }
      %dma_wait3A_62 = arith.constant 0 : i32
      %dma_wait3A_63 = tpu.memref_slice %arg6[%dma_wait3A_62] : memref<2048xi32, #tpu.memory_space<vmem>> -> memref<32xi32, #tpu.memory_space<vmem>>
      %dma_wait3A_64 = arith.constant 0 : i32
      %dma_wait3A_65 = arith.constant 0 : i32
      %dma_wait3A_66 = tpu.memref_slice %arg2[%dma_wait3A_64, %dma_wait3A_65] : memref<8192x512xf32, #tpu.memory_space<hbm>> -> memref<8192x512xf32, #tpu.memory_space<hbm>>
      tpu.wait_indirect_dma semaphore(%arg13 : memref<!tpu.dma_semaphore, #tpu.memory_space<semaphore_mem>>) src(%dma_wait3A_66 : memref<8192x512xf32, #tpu.memory_space<hbm>>) dst(%arg7 : memref<32x512xf32, #tpu.memory_space<vmem>>)
      %mul3A_67 = arith.constant 32 : i32
      %mul3A_68 = arith.muli %add3A_53, %mul3A_67 : i32
      %add3A_69 = arith.addi %mul3A_2, %mul3A_68 : i32
      %dma_start3A_70 = arith.constant 0 : i32
      %dma_start3A_71 = tpu.memref_slice %arg4[%add3A_69, %dma_start3A_70] : memref<65536x512xf32, #tpu.memory_space<hbm>> -> memref<32x512xf32, #tpu.memory_space<hbm>>
      %dma_start3A_72 = arith.constant 0 : i32
      %dma_start3A_73 = tpu.memref_slice %arg4[%add3A_69, %dma_start3A_72] : memref<65536x512xf32, #tpu.memory_space<hbm>> -> memref<32x512xf32, #tpu.memory_space<hbm>>
      tpu.enqueue_dma source(%arg7 : memref<32x512xf32, #tpu.memory_space<vmem>>) target(%dma_start3A_73 : memref<32x512xf32, #tpu.memory_space<hbm>>) target_semaphore(%arg17 : memref<!tpu.dma_semaphore, #tpu.memory_space<semaphore_mem>>)
      %scan3A_74 = arith.constant 0 : i32
      %scan3A_75 = arith.constant 0 : i32
      %scan3A_76 = arith.constant 32 : i32
      %scan3A_77 = arith.addi %scan3A_75, %scan3A_76 : i32
      %scan3A_78 = arith.constant 1 : i32
      scf.for %scan3A_661 = %scan3A_75 to %scan3A_77 step %scan3A_78  : i32 {
        %get3A_662 = arith.index_cast %scan3A_661 : i32 to index
        %get3A_663 = arith.constant 0 : index
        %get3A_664 = tpu.vector_load %arg7[%get3A_662, %get3A_663] {strides = array<i32>} : memref<32x512xf32, #tpu.memory_space<vmem>>, vector<16xf32>,
        %get3A_665 = arith.index_cast %scan3A_661 : i32 to index
        %get3A_666 = arith.constant 16 : index
        %get3A_667 = tpu.vector_load %arg7[%get3A_665, %get3A_666] {strides = array<i32>} : memref<32x512xf32, #tpu.memory_space<vmem>>, vector<16xf32>,
        %add3A_668 = arith.addf %get3A_664, %get3A_667 : vector<16xf32>
        %get3A_669 = arith.index_cast %scan3A_661 : i32 to index
        %get3A_670 = arith.constant 32 : index
        %get3A_671 = tpu.vector_load %arg7[%get3A_669, %get3A_670] {strides = array<i32>} : memref<32x512xf32, #tpu.memory_space<vmem>>, vector<16xf32>,
        %add3A_672 = arith.addf %add3A_668, %get3A_671 : vector<16xf32>
        %get3A_673 = arith.index_cast %scan3A_661 : i32 to index
        %get3A_674 = arith.constant 48 : index
        %get3A_675 = tpu.vector_load %arg7[%get3A_673, %get3A_674] {strides = array<i32>} : memref<32x512xf32, #tpu.memory_space<vmem>>, vector<16xf32>,
        %add3A_676 = arith.addf %add3A_672, %get3A_675 : vector<16xf32>
        %get3A_677 = arith.index_cast %scan3A_661 : i32 to index
        %get3A_678 = arith.constant 64 : index
        %get3A_679 = tpu.vector_load %arg7[%get3A_677, %get3A_678] {strides = array<i32>} : memref<32x512xf32, #tpu.memory_space<vmem>>, vector<16xf32>,
        %add3A_680 = arith.addf %add3A_676, %get3A_679 : vector<16xf32>
        %get3A_681 = arith.index_cast %scan3A_661 : i32 to index
        %get3A_682 = arith.constant 80 : index
        %get3A_683 = tpu.vector_load %arg7[%get3A_681, %get3A_682] {strides = array<i32>} : memref<32x512xf32, #tpu.memory_space<vmem>>, vector<16xf32>,
        %add3A_684 = arith.addf %add3A_680, %get3A_683 : vector<16xf32>
        %get3A_685 = arith.index_cast %scan3A_661 : i32 to index
        %get3A_686 = arith.constant 96 : index
        %get3A_687 = tpu.vector_load %arg7[%get3A_685, %get3A_686] {strides = array<i32>} : memref<32x512xf32, #tpu.memory_space<vmem>>, vector<16xf32>,
        %add3A_688 = arith.addf %add3A_684, %get3A_687 : vector<16xf32>
        %get3A_689 = arith.index_cast %scan3A_661 : i32 to index
        %get3A_690 = arith.constant 112 : index
        %get3A_691 = tpu.vector_load %arg7[%get3A_689, %get3A_690] {strides = array<i32>} : memref<32x512xf32, #tpu.memory_space<vmem>>, vector<16xf32>,
        %add3A_692 = arith.addf %add3A_688, %get3A_691 : vector<16xf32>
        %get3A_693 = arith.index_cast %scan3A_661 : i32 to index
        %get3A_694 = arith.constant 128 : index
        %get3A_695 = tpu.vector_load %arg7[%get3A_693, %get3A_694] {strides = array<i32>} : memref<32x512xf32, #tpu.memory_space<vmem>>, vector<16xf32>,
        %add3A_696 = arith.addf %add3A_692, %get3A_695 : vector<16xf32>
        %get3A_697 = arith.index_cast %scan3A_661 : i32 to index
        %get3A_698 = arith.constant 144 : index
        %get3A_699 = tpu.vector_load %arg7[%get3A_697, %get3A_698] {strides = array<i32>} : memref<32x512xf32, #tpu.memory_space<vmem>>, vector<16xf32>,
        %add3A_700 = arith.addf %add3A_696, %get3A_699 : vector<16xf32>
        %get3A_701 = arith.index_cast %scan3A_661 : i32 to index
        %get3A_702 = arith.constant 160 : index
        %get3A_703 = tpu.vector_load %arg7[%get3A_701, %get3A_702] {strides = array<i32>} : memref<32x512xf32, #tpu.memory_space<vmem>>, vector<16xf32>,
        %add3A_704 = arith.addf %add3A_700, %get3A_703 : vector<16xf32>
        %get3A_705 = arith.index_cast %scan3A_661 : i32 to index
        %get3A_706 = arith.constant 176 : index
        %get3A_707 = tpu.vector_load %arg7[%get3A_705, %get3A_706] {strides = array<i32>} : memref<32x512xf32, #tpu.memory_space<vmem>>, vector<16xf32>,
        %add3A_708 = arith.addf %add3A_704, %get3A_707 : vector<16xf32>
        %get3A_709 = arith.index_cast %scan3A_661 : i32 to index
        %get3A_710 = arith.constant 192 : index
        %get3A_711 = tpu.vector_load %arg7[%get3A_709, %get3A_710] {strides = array<i32>} : memref<32x512xf32, #tpu.memory_space<vmem>>, vector<16xf32>,
        %add3A_712 = arith.addf %add3A_708, %get3A_711 : vector<16xf32>
        %get3A_713 = arith.index_cast %scan3A_661 : i32 to index
        %get3A_714 = arith.constant 208 : index
        %get3A_715 = tpu.vector_load %arg7[%get3A_713, %get3A_714] {strides = array<i32>} : memref<32x512xf32, #tpu.memory_space<vmem>>, vector<16xf32>,
        %add3A_716 = arith.addf %add3A_712, %get3A_715 : vector<16xf32>
        %get3A_717 = arith.index_cast %scan3A_661 : i32 to index
        %get3A_718 = arith.constant 224 : index
        %get3A_719 = tpu.vector_load %arg7[%get3A_717, %get3A_718] {strides = array<i32>} : memref<32x512xf32, #tpu.memory_space<vmem>>, vector<16xf32>,
        %add3A_720 = arith.addf %add3A_716, %get3A_719 : vector<16xf32>
        %get3A_721 = arith.index_cast %scan3A_661 : i32 to index
        %get3A_722 = arith.constant 240 : index
        %get3A_723 = tpu.vector_load %arg7[%get3A_721, %get3A_722] {strides = array<i32>} : memref<32x512xf32, #tpu.memory_space<vmem>>, vector<16xf32>,
        %add3A_724 = arith.addf %add3A_720, %get3A_723 : vector<16xf32>
        %get3A_725 = arith.index_cast %scan3A_661 : i32 to index
        %get3A_726 = arith.constant 256 : index
        %get3A_727 = tpu.vector_load %arg7[%get3A_725, %get3A_726] {strides = array<i32>} : memref<32x512xf32, #tpu.memory_space<vmem>>, vector<16xf32>,
        %add3A_728 = arith.addf %add3A_724, %get3A_727 : vector<16xf32>
        %get3A_729 = arith.index_cast %scan3A_661 : i32 to index
        %get3A_730 = arith.constant 272 : index
        %get3A_731 = tpu.vector_load %arg7[%get3A_729, %get3A_730] {strides = array<i32>} : memref<32x512xf32, #tpu.memory_space<vmem>>, vector<16xf32>,
        %add3A_732 = arith.addf %add3A_728, %get3A_731 : vector<16xf32>
        %get3A_733 = arith.index_cast %scan3A_661 : i32 to index
        %get3A_734 = arith.constant 288 : index
        %get3A_735 = tpu.vector_load %arg7[%get3A_733, %get3A_734] {strides = array<i32>} : memref<32x512xf32, #tpu.memory_space<vmem>>, vector<16xf32>,
        %add3A_736 = arith.addf %add3A_732, %get3A_735 : vector<16xf32>
        %get3A_737 = arith.index_cast %scan3A_661 : i32 to index
        %get3A_738 = arith.constant 304 : index
        %get3A_739 = tpu.vector_load %arg7[%get3A_737, %get3A_738] {strides = array<i32>} : memref<32x512xf32, #tpu.memory_space<vmem>>, vector<16xf32>,
        %add3A_740 = arith.addf %add3A_736, %get3A_739 : vector<16xf32>
        %get3A_741 = arith.index_cast %scan3A_661 : i32 to index
        %get3A_742 = arith.constant 320 : index
        %get3A_743 = tpu.vector_load %arg7[%get3A_741, %get3A_742] {strides = array<i32>} : memref<32x512xf32, #tpu.memory_space<vmem>>, vector<16xf32>,
        %add3A_744 = arith.addf %add3A_740, %get3A_743 : vector<16xf32>
        %get3A_745 = arith.index_cast %scan3A_661 : i32 to index
        %get3A_746 = arith.constant 336 : index
        %get3A_747 = tpu.vector_load %arg7[%get3A_745, %get3A_746] {strides = array<i32>} : memref<32x512xf32, #tpu.memory_space<vmem>>, vector<16xf32>,
        %add3A_748 = arith.addf %add3A_744, %get3A_747 : vector<16xf32>
        %get3A_749 = arith.index_cast %scan3A_661 : i32 to index
        %get3A_750 = arith.constant 352 : index
        %get3A_751 = tpu.vector_load %arg7[%get3A_749, %get3A_750] {strides = array<i32>} : memref<32x512xf32, #tpu.memory_space<vmem>>, vector<16xf32>,
        %add3A_752 = arith.addf %add3A_748, %get3A_751 : vector<16xf32>
        %get3A_753 = arith.index_cast %scan3A_661 : i32 to index
        %get3A_754 = arith.constant 368 : index
        %get3A_755 = tpu.vector_load %arg7[%get3A_753, %get3A_754] {strides = array<i32>} : memref<32x512xf32, #tpu.memory_space<vmem>>, vector<16xf32>,
        %add3A_756 = arith.addf %add3A_752, %get3A_755 : vector<16xf32>
        %get3A_757 = arith.index_cast %scan3A_661 : i32 to index
        %get3A_758 = arith.constant 384 : index
        %get3A_759 = tpu.vector_load %arg7[%get3A_757, %get3A_758] {strides = array<i32>} : memref<32x512xf32, #tpu.memory_space<vmem>>, vector<16xf32>,
        %add3A_760 = arith.addf %add3A_756, %get3A_759 : vector<16xf32>
        %get3A_761 = arith.index_cast %scan3A_661 : i32 to index
        %get3A_762 = arith.constant 400 : index
        %get3A_763 = tpu.vector_load %arg7[%get3A_761, %get3A_762] {strides = array<i32>} : memref<32x512xf32, #tpu.memory_space<vmem>>, vector<16xf32>,
        %add3A_764 = arith.addf %add3A_760, %get3A_763 : vector<16xf32>
        %get3A_765 = arith.index_cast %scan3A_661 : i32 to index
        %get3A_766 = arith.constant 416 : index
        %get3A_767 = tpu.vector_load %arg7[%get3A_765, %get3A_766] {strides = array<i32>} : memref<32x512xf32, #tpu.memory_space<vmem>>, vector<16xf32>,
        %add3A_768 = arith.addf %add3A_764, %get3A_767 : vector<16xf32>
        %get3A_769 = arith.index_cast %scan3A_661 : i32 to index
        %get3A_770 = arith.constant 432 : index
        %get3A_771 = tpu.vector_load %arg7[%get3A_769, %get3A_770] {strides = array<i32>} : memref<32x512xf32, #tpu.memory_space<vmem>>, vector<16xf32>,
        %add3A_772 = arith.addf %add3A_768, %get3A_771 : vector<16xf32>
        %get3A_773 = arith.index_cast %scan3A_661 : i32 to index
        %get3A_774 = arith.constant 448 : index
        %get3A_775 = tpu.vector_load %arg7[%get3A_773, %get3A_774] {strides = array<i32>} : memref<32x512xf32, #tpu.memory_space<vmem>>, vector<16xf32>,
        %add3A_776 = arith.addf %add3A_772, %get3A_775 : vector<16xf32>
        %get3A_777 = arith.index_cast %scan3A_661 : i32 to index
        %get3A_778 = arith.constant 464 : index
        %get3A_779 = tpu.vector_load %arg7[%get3A_777, %get3A_778] {strides = array<i32>} : memref<32x512xf32, #tpu.memory_space<vmem>>, vector<16xf32>,
        %add3A_780 = arith.addf %add3A_776, %get3A_779 : vector<16xf32>
        %get3A_781 = arith.index_cast %scan3A_661 : i32 to index
        %get3A_782 = arith.constant 480 : index
        %get3A_783 = tpu.vector_load %arg7[%get3A_781, %get3A_782] {strides = array<i32>} : memref<32x512xf32, #tpu.memory_space<vmem>>, vector<16xf32>,
        %add3A_784 = arith.addf %add3A_780, %get3A_783 : vector<16xf32>
        %get3A_785 = arith.index_cast %scan3A_661 : i32 to index
        %get3A_786 = arith.constant 496 : index
        %get3A_787 = tpu.vector_load %arg7[%get3A_785, %get3A_786] {strides = array<i32>} : memref<32x512xf32, #tpu.memory_space<vmem>>, vector<16xf32>,
        %add3A_788 = arith.addf %add3A_784, %get3A_787 : vector<16xf32>
        %iota3A = tpu.iota {dimensions = array<i32: 0>} : vector<16xi32>
        %mul3A_789 = arith.constant 32 : i32
        %mul3A_790 = vector.broadcast %mul3A_789 : i32 to vector<16xi32>
        %mul3A_791 = arith.muli %iota3A, %mul3A_790 : vector<16xi32>
        %add3A_792 = vector.broadcast %scan3A_661 : i32 to vector<16xi32>
        %add3A_793 = arith.addi %mul3A_791, %add3A_792 : vector<16xi32>
        tpu.vector_store_idx %arg11[%add3A_793], %add3A_788 : memref<512xf32, #tpu.memory_space<vmem>>[vector<16xi32>], vector<16xf32>,
      }
      %scan3A_79 = arith.constant 32 : i32
      %get3A = arith.constant 0 : index
      %get3A_80 = tpu.vector_load %arg11[%get3A] {strides = array<i32>} : memref<512xf32, #tpu.memory_space<vmem>>, vector<16xf32>,
      %get3A_81 = arith.constant 32 : index
      %get3A_82 = tpu.vector_load %arg11[%get3A_81] {strides = array<i32>} : memref<512xf32, #tpu.memory_space<vmem>>, vector<16xf32>,
      %add3A_83 = arith.addf %get3A_80, %get3A_82 : vector<16xf32>
      %get3A_84 = arith.constant 64 : index
      %get3A_85 = tpu.vector_load %arg11[%get3A_84] {strides = array<i32>} : memref<512xf32, #tpu.memory_space<vmem>>, vector<16xf32>,
      %add3A_86 = arith.addf %add3A_83, %get3A_85 : vector<16xf32>
      %get3A_87 = arith.constant 96 : index
      %get3A_88 = tpu.vector_load %arg11[%get3A_87] {strides = array<i32>} : memref<512xf32, #tpu.memory_space<vmem>>, vector<16xf32>,
      %add3A_89 = arith.addf %add3A_86, %get3A_88 : vector<16xf32>
      %get3A_90 = arith.constant 128 : index
      %get3A_91 = tpu.vector_load %arg11[%get3A_90] {strides = array<i32>} : memref<512xf32, #tpu.memory_space<vmem>>, vector<16xf32>,
      %add3A_92 = arith.addf %add3A_89, %get3A_91 : vector<16xf32>
      %get3A_93 = arith.constant 160 : index
      %get3A_94 = tpu.vector_load %arg11[%get3A_93] {strides = array<i32>} : memref<512xf32, #tpu.memory_space<vmem>>, vector<16xf32>,
      %add3A_95 = arith.addf %add3A_92, %get3A_94 : vector<16xf32>
      %get3A_96 = arith.constant 192 : index
      %get3A_97 = tpu.vector_load %arg11[%get3A_96] {strides = array<i32>} : memref<512xf32, #tpu.memory_space<vmem>>, vector<16xf32>,
      %add3A_98 = arith.addf %add3A_95, %get3A_97 : vector<16xf32>
      %get3A_99 = arith.constant 224 : index
      %get3A_100 = tpu.vector_load %arg11[%get3A_99] {strides = array<i32>} : memref<512xf32, #tpu.memory_space<vmem>>, vector<16xf32>,
      %add3A_101 = arith.addf %add3A_98, %get3A_100 : vector<16xf32>
      %get3A_102 = arith.constant 256 : index
      %get3A_103 = tpu.vector_load %arg11[%get3A_102] {strides = array<i32>} : memref<512xf32, #tpu.memory_space<vmem>>, vector<16xf32>,
      %add3A_104 = arith.addf %add3A_101, %get3A_103 : vector<16xf32>
      %get3A_105 = arith.constant 288 : index
      %get3A_106 = tpu.vector_load %arg11[%get3A_105] {strides = array<i32>} : memref<512xf32, #tpu.memory_space<vmem>>, vector<16xf32>,
      %add3A_107 = arith.addf %add3A_104, %get3A_106 : vector<16xf32>
      %get3A_108 = arith.constant 320 : index
      %get3A_109 = tpu.vector_load %arg11[%get3A_108] {strides = array<i32>} : memref<512xf32, #tpu.memory_space<vmem>>, vector<16xf32>,
      %add3A_110 = arith.addf %add3A_107, %get3A_109 : vector<16xf32>
      %get3A_111 = arith.constant 352 : index
      %get3A_112 = tpu.vector_load %arg11[%get3A_111] {strides = array<i32>} : memref<512xf32, #tpu.memory_space<vmem>>, vector<16xf32>,
      %add3A_113 = arith.addf %add3A_110, %get3A_112 : vector<16xf32>
      %get3A_114 = arith.constant 384 : index
      %get3A_115 = tpu.vector_load %arg11[%get3A_114] {strides = array<i32>} : memref<512xf32, #tpu.memory_space<vmem>>, vector<16xf32>,
      %add3A_116 = arith.addf %add3A_113, %get3A_115 : vector<16xf32>
      %get3A_117 = arith.constant 416 : index
      %get3A_118 = tpu.vector_load %arg11[%get3A_117] {strides = array<i32>} : memref<512xf32, #tpu.memory_space<vmem>>, vector<16xf32>,
      %add3A_119 = arith.addf %add3A_116, %get3A_118 : vector<16xf32>
      %get3A_120 = arith.constant 448 : index
      %get3A_121 = tpu.vector_load %arg11[%get3A_120] {strides = array<i32>} : memref<512xf32, #tpu.memory_space<vmem>>, vector<16xf32>,
      %add3A_122 = arith.addf %add3A_119, %get3A_121 : vector<16xf32>
      %get3A_123 = arith.constant 480 : index
      %get3A_124 = tpu.vector_load %arg11[%get3A_123] {strides = array<i32>} : memref<512xf32, #tpu.memory_space<vmem>>, vector<16xf32>,
      %add3A_125 = arith.addf %add3A_122, %get3A_124 : vector<16xf32>
      %ne3A_126 = arith.constant 0.000000e+00 : f32
      %ne3A_127 = vector.broadcast %ne3A_126 : f32 to vector<16xf32>
      %ne3A_128 = arith.cmpf one, %add3A_125, %ne3A_127 : vector<16xf32>
      %jit3A_129 = arith.constant 1 : i32
      %jit3A_130 = arith.constant 0 : i32
      %broadcast_in_dim3A = vector.broadcast %jit3A_129 : i32 to vector<16xi32>
      %broadcast_in_dim3A_131 = vector.broadcast %jit3A_130 : i32 to vector<16xi32>
      %select_n3A_132 = arith.select %ne3A_128, %broadcast_in_dim3A, %broadcast_in_dim3A_131 : vector<16xi1>, vector<16xi32>
      %mul3A_133 = arith.constant 32 : i32
      %mul3A_134 = arith.muli %add3A_53, %mul3A_133 : i32
      %add3A_135 = arith.constant 0 : i32
      %add3A_136 = arith.addi %mul3A_134, %add3A_135 : i32
      %swap3A = arith.index_cast %add3A_136 : i32 to index
      %swap3A_137 = tpu.vector_load %arg12[%swap3A] {strides = array<i32>} : memref<2048xi32, #tpu.memory_space<vmem>>, vector<16xi32>,
      tpu.vector_store %arg12[%swap3A], %select_n3A_132 {strides = array<i32>} : memref<2048xi32, #tpu.memory_space<vmem>>, vector<16xi32>,
      %get3A_138 = arith.constant 16 : index
      %get3A_139 = tpu.vector_load %arg11[%get3A_138] {strides = array<i32>} : memref<512xf32, #tpu.memory_space<vmem>>, vector<16xf32>,
      %get3A_140 = arith.constant 48 : index
      %get3A_141 = tpu.vector_load %arg11[%get3A_140] {strides = array<i32>} : memref<512xf32, #tpu.memory_space<vmem>>, vector<16xf32>,
      %add3A_142 = arith.addf %get3A_139, %get3A_141 : vector<16xf32>
      %get3A_143 = arith.constant 80 : index
      %get3A_144 = tpu.vector_load %arg11[%get3A_143] {strides = array<i32>} : memref<512xf32, #tpu.memory_space<vmem>>, vector<16xf32>,
      %add3A_145 = arith.addf %add3A_142, %get3A_144 : vector<16xf32>
      %get3A_146 = arith.constant 112 : index
      %get3A_147 = tpu.vector_load %arg11[%get3A_146] {strides = array<i32>} : memref<512xf32, #tpu.memory_space<vmem>>, vector<16xf32>,
      %add3A_148 = arith.addf %add3A_145, %get3A_147 : vector<16xf32>
      %get3A_149 = arith.constant 144 : index
      %get3A_150 = tpu.vector_load %arg11[%get3A_149] {strides = array<i32>} : memref<512xf32, #tpu.memory_space<vmem>>, vector<16xf32>,
      %add3A_151 = arith.addf %add3A_148, %get3A_150 : vector<16xf32>
      %get3A_152 = arith.constant 176 : index
      %get3A_153 = tpu.vector_load %arg11[%get3A_152] {strides = array<i32>} : memref<512xf32, #tpu.memory_space<vmem>>, vector<16xf32>,
      %add3A_154 = arith.addf %add3A_151, %get3A_153 : vector<16xf32>
      %get3A_155 = arith.constant 208 : index
      %get3A_156 = tpu.vector_load %arg11[%get3A_155] {strides = array<i32>} : memref<512xf32, #tpu.memory_space<vmem>>, vector<16xf32>,
      %add3A_157 = arith.addf %add3A_154, %get3A_156 : vector<16xf32>
      %get3A_158 = arith.constant 240 : index
      %get3A_159 = tpu.vector_load %arg11[%get3A_158] {strides = array<i32>} : memref<512xf32, #tpu.memory_space<vmem>>, vector<16xf32>,
      %add3A_160 = arith.addf %add3A_157, %get3A_159 : vector<16xf32>
      %get3A_161 = arith.constant 272 : index
      %get3A_162 = tpu.vector_load %arg11[%get3A_161] {strides = array<i32>} : memref<512xf32, #tpu.memory_space<vmem>>, vector<16xf32>,
      %add3A_163 = arith.addf %add3A_160, %get3A_162 : vector<16xf32>
      %get3A_164 = arith.constant 304 : index
      %get3A_165 = tpu.vector_load %arg11[%get3A_164] {strides = array<i32>} : memref<512xf32, #tpu.memory_space<vmem>>, vector<16xf32>,
      %add3A_166 = arith.addf %add3A_163, %get3A_165 : vector<16xf32>
      %get3A_167 = arith.constant 336 : index
      %get3A_168 = tpu.vector_load %arg11[%get3A_167] {strides = array<i32>} : memref<512xf32, #tpu.memory_space<vmem>>, vector<16xf32>,
      %add3A_169 = arith.addf %add3A_166, %get3A_168 : vector<16xf32>
      %get3A_170 = arith.constant 368 : index
      %get3A_171 = tpu.vector_load %arg11[%get3A_170] {strides = array<i32>} : memref<512xf32, #tpu.memory_space<vmem>>, vector<16xf32>,
      %add3A_172 = arith.addf %add3A_169, %get3A_171 : vector<16xf32>
      %get3A_173 = arith.constant 400 : index
      %get3A_174 = tpu.vector_load %arg11[%get3A_173] {strides = array<i32>} : memref<512xf32, #tpu.memory_space<vmem>>, vector<16xf32>,
      %add3A_175 = arith.addf %add3A_172, %get3A_174 : vector<16xf32>
      %get3A_176 = arith.constant 432 : index
      %get3A_177 = tpu.vector_load %arg11[%get3A_176] {strides = array<i32>} : memref<512xf32, #tpu.memory_space<vmem>>, vector<16xf32>,
      %add3A_178 = arith.addf %add3A_175, %get3A_177 : vector<16xf32>
      %get3A_179 = arith.constant 464 : index
      %get3A_180 = tpu.vector_load %arg11[%get3A_179] {strides = array<i32>} : memref<512xf32, #tpu.memory_space<vmem>>, vector<16xf32>,
      %add3A_181 = arith.addf %add3A_178, %get3A_180 : vector<16xf32>
      %get3A_182 = arith.constant 496 : index
      %get3A_183 = tpu.vector_load %arg11[%get3A_182] {strides = array<i32>} : memref<512xf32, #tpu.memory_space<vmem>>, vector<16xf32>,
      %add3A_184 = arith.addf %add3A_181, %get3A_183 : vector<16xf32>
      %ne3A_185 = arith.constant 0.000000e+00 : f32
      %ne3A_186 = vector.broadcast %ne3A_185 : f32 to vector<16xf32>
      %ne3A_187 = arith.cmpf one, %add3A_184, %ne3A_186 : vector<16xf32>
      %jit3A_188 = arith.constant 1 : i32
      %jit3A_189 = arith.constant 0 : i32
      %broadcast_in_dim3A_190 = vector.broadcast %jit3A_188 : i32 to vector<16xi32>
      %broadcast_in_dim3A_191 = vector.broadcast %jit3A_189 : i32 to vector<16xi32>
      %select_n3A_192 = arith.select %ne3A_187, %broadcast_in_dim3A_190, %broadcast_in_dim3A_191 : vector<16xi1>, vector<16xi32>
      %mul3A_193 = arith.constant 32 : i32
      %mul3A_194 = arith.muli %add3A_53, %mul3A_193 : i32
      %add3A_195 = arith.constant 16 : i32
      %add3A_196 = arith.addi %mul3A_194, %add3A_195 : i32
      %swap3A_197 = arith.index_cast %add3A_196 : i32 to index
      %swap3A_198 = tpu.vector_load %arg12[%swap3A_197] {strides = array<i32>} : memref<2048xi32, #tpu.memory_space<vmem>>, vector<16xi32>,
      tpu.vector_store %arg12[%swap3A_197], %select_n3A_192 {strides = array<i32>} : memref<2048xi32, #tpu.memory_space<vmem>>, vector<16xi32>,
      %add3A_199 = arith.constant 1 : i32
      %add3A_200 = arith.addi %add3A_51, %add3A_199 : i32
      %ge3A_201 = arith.constant 2 : i32
      %ge3A_202 = arith.cmpi sge, %add3A_200, %ge3A_201 : i32
      %convert_element_type3A_203 = arith.extui %ge3A_202 : i1 to i32
      %cond3A_204 = arith.constant 0 : i32
      %cond3A_205 = arith.cmpi ne, %convert_element_type3A_203, %cond3A_204 : i32
      scf.if %cond3A_205 {
        %dma_wait3A_661 = arith.constant 0 : i32
        %dma_wait3A_662 = tpu.memref_slice %arg4[%mul3A_2, %dma_wait3A_661] : memref<65536x512xf32, #tpu.memory_space<hbm>> -> memref<32x512xf32, #tpu.memory_space<hbm>>
        %dma_wait3A_663 = arith.constant 0 : i32
        %dma_wait3A_664 = tpu.memref_slice %arg4[%mul3A_2, %dma_wait3A_663] : memref<65536x512xf32, #tpu.memory_space<hbm>> -> memref<32x512xf32, #tpu.memory_space<hbm>>
        tpu.wait_dma2 semaphore(%arg20 : memref<!tpu.dma_semaphore, #tpu.memory_space<semaphore_mem>>) src(%arg10 : memref<32x512xf32, #tpu.memory_space<vmem>>) dst(%dma_wait3A_664 : memref<32x512xf32, #tpu.memory_space<hbm>>)
      } else {
      }
      %add3A_206 = arith.constant 2 : i32
      %add3A_207 = arith.addi %add3A_200, %add3A_206 : i32
      %lt3A_208 = arith.constant 64 : i32
      %lt3A_209 = arith.cmpi slt, %add3A_207, %lt3A_208 : i32
      %convert_element_type3A_210 = arith.extui %lt3A_209 : i1 to i32
      %cond3A_211 = arith.constant 0 : i32
      %cond3A_212 = arith.cmpi ne, %convert_element_type3A_210, %cond3A_211 : i32
      scf.if %cond3A_212 {
        %add3A_661 = arith.constant 2 : i32
        %add3A_662 = arith.addi %add3A_200, %add3A_661 : i32
        %mul3A_663 = arith.constant 32 : i32
        %mul3A_664 = arith.muli %add3A_662, %mul3A_663 : i32
        %dma_start3A_665 = tpu.memref_slice %arg6[%mul3A_664] : memref<2048xi32, #tpu.memory_space<vmem>> -> memref<32xi32, #tpu.memory_space<vmem>>
        %dma_start3A_666 = arith.constant 0 : i32
        %dma_start3A_667 = arith.constant 0 : i32
        %dma_start3A_668 = tpu.memref_slice %arg2[%dma_start3A_666, %dma_start3A_667] : memref<8192x512xf32, #tpu.memory_space<hbm>> -> memref<8192x512xf32, #tpu.memory_space<hbm>>
        tpu.enqueue_indirect_dma source(%dma_start3A_668 : memref<8192x512xf32, #tpu.memory_space<hbm>>) target(%arg10 : memref<32x512xf32, #tpu.memory_space<vmem>>) offsets(%dma_start3A_665 : memref<32xi32, #tpu.memory_space<vmem>>) semaphore(%arg16 : memref<!tpu.dma_semaphore, #tpu.memory_space<semaphore_mem>>)
      } else {
      }
      %dma_wait3A_213 = arith.constant 0 : i32
      %dma_wait3A_214 = tpu.memref_slice %arg6[%dma_wait3A_213] : memref<2048xi32, #tpu.memory_space<vmem>> -> memref<32xi32, #tpu.memory_space<vmem>>
      %dma_wait3A_215 = arith.constant 0 : i32
      %dma_wait3A_216 = arith.constant 0 : i32
      %dma_wait3A_217 = tpu.memref_slice %arg2[%dma_wait3A_215, %dma_wait3A_216] : memref<8192x512xf32, #tpu.memory_space<hbm>> -> memref<8192x512xf32, #tpu.memory_space<hbm>>
      tpu.wait_indirect_dma semaphore(%arg14 : memref<!tpu.dma_semaphore, #tpu.memory_space<semaphore_mem>>) src(%dma_wait3A_217 : memref<8192x512xf32, #tpu.memory_space<hbm>>) dst(%arg8 : memref<32x512xf32, #tpu.memory_space<vmem>>)
      %mul3A_218 = arith.constant 32 : i32
      %mul3A_219 = arith.muli %add3A_200, %mul3A_218 : i32
      %add3A_220 = arith.addi %mul3A_2, %mul3A_219 : i32
      %dma_start3A_221 = arith.constant 0 : i32
      %dma_start3A_222 = tpu.memref_slice %arg4[%add3A_220, %dma_start3A_221] : memref<65536x512xf32, #tpu.memory_space<hbm>> -> memref<32x512xf32, #tpu.memory_space<hbm>>
      %dma_start3A_223 = arith.constant 0 : i32
      %dma_start3A_224 = tpu.memref_slice %arg4[%add3A_220, %dma_start3A_223] : memref<65536x512xf32, #tpu.memory_space<hbm>> -> memref<32x512xf32, #tpu.memory_space<hbm>>
      tpu.enqueue_dma source(%arg8 : memref<32x512xf32, #tpu.memory_space<vmem>>) target(%dma_start3A_224 : memref<32x512xf32, #tpu.memory_space<hbm>>) target_semaphore(%arg18 : memref<!tpu.dma_semaphore, #tpu.memory_space<semaphore_mem>>)
      %scan3A_225 = arith.constant 0 : i32
      %scan3A_226 = arith.constant 0 : i32
      %scan3A_227 = arith.constant 32 : i32
      %scan3A_228 = arith.addi %scan3A_226, %scan3A_227 : i32
      %scan3A_229 = arith.constant 1 : i32
      scf.for %scan3A_661 = %scan3A_226 to %scan3A_228 step %scan3A_229  : i32 {
        %get3A_662 = arith.index_cast %scan3A_661 : i32 to index
        %get3A_663 = arith.constant 0 : index
        %get3A_664 = tpu.vector_load %arg8[%get3A_662, %get3A_663] {strides = array<i32>} : memref<32x512xf32, #tpu.memory_space<vmem>>, vector<16xf32>,
        %get3A_665 = arith.index_cast %scan3A_661 : i32 to index
        %get3A_666 = arith.constant 16 : index
        %get3A_667 = tpu.vector_load %arg8[%get3A_665, %get3A_666] {strides = array<i32>} : memref<32x512xf32, #tpu.memory_space<vmem>>, vector<16xf32>,
        %add3A_668 = arith.addf %get3A_664, %get3A_667 : vector<16xf32>
        %get3A_669 = arith.index_cast %scan3A_661 : i32 to index
        %get3A_670 = arith.constant 32 : index
        %get3A_671 = tpu.vector_load %arg8[%get3A_669, %get3A_670] {strides = array<i32>} : memref<32x512xf32, #tpu.memory_space<vmem>>, vector<16xf32>,
        %add3A_672 = arith.addf %add3A_668, %get3A_671 : vector<16xf32>
        %get3A_673 = arith.index_cast %scan3A_661 : i32 to index
        %get3A_674 = arith.constant 48 : index
        %get3A_675 = tpu.vector_load %arg8[%get3A_673, %get3A_674] {strides = array<i32>} : memref<32x512xf32, #tpu.memory_space<vmem>>, vector<16xf32>,
        %add3A_676 = arith.addf %add3A_672, %get3A_675 : vector<16xf32>
        %get3A_677 = arith.index_cast %scan3A_661 : i32 to index
        %get3A_678 = arith.constant 64 : index
        %get3A_679 = tpu.vector_load %arg8[%get3A_677, %get3A_678] {strides = array<i32>} : memref<32x512xf32, #tpu.memory_space<vmem>>, vector<16xf32>,
        %add3A_680 = arith.addf %add3A_676, %get3A_679 : vector<16xf32>
        %get3A_681 = arith.index_cast %scan3A_661 : i32 to index
        %get3A_682 = arith.constant 80 : index
        %get3A_683 = tpu.vector_load %arg8[%get3A_681, %get3A_682] {strides = array<i32>} : memref<32x512xf32, #tpu.memory_space<vmem>>, vector<16xf32>,
        %add3A_684 = arith.addf %add3A_680, %get3A_683 : vector<16xf32>
        %get3A_685 = arith.index_cast %scan3A_661 : i32 to index
        %get3A_686 = arith.constant 96 : index
        %get3A_687 = tpu.vector_load %arg8[%get3A_685, %get3A_686] {strides = array<i32>} : memref<32x512xf32, #tpu.memory_space<vmem>>, vector<16xf32>,
        %add3A_688 = arith.addf %add3A_684, %get3A_687 : vector<16xf32>
        %get3A_689 = arith.index_cast %scan3A_661 : i32 to index
        %get3A_690 = arith.constant 112 : index
        %get3A_691 = tpu.vector_load %arg8[%get3A_689, %get3A_690] {strides = array<i32>} : memref<32x512xf32, #tpu.memory_space<vmem>>, vector<16xf32>,
        %add3A_692 = arith.addf %add3A_688, %get3A_691 : vector<16xf32>
        %get3A_693 = arith.index_cast %scan3A_661 : i32 to index
        %get3A_694 = arith.constant 128 : index
        %get3A_695 = tpu.vector_load %arg8[%get3A_693, %get3A_694] {strides = array<i32>} : memref<32x512xf32, #tpu.memory_space<vmem>>, vector<16xf32>,
        %add3A_696 = arith.addf %add3A_692, %get3A_695 : vector<16xf32>
        %get3A_697 = arith.index_cast %scan3A_661 : i32 to index
        %get3A_698 = arith.constant 144 : index
        %get3A_699 = tpu.vector_load %arg8[%get3A_697, %get3A_698] {strides = array<i32>} : memref<32x512xf32, #tpu.memory_space<vmem>>, vector<16xf32>,
        %add3A_700 = arith.addf %add3A_696, %get3A_699 : vector<16xf32>
        %get3A_701 = arith.index_cast %scan3A_661 : i32 to index
        %get3A_702 = arith.constant 160 : index
        %get3A_703 = tpu.vector_load %arg8[%get3A_701, %get3A_702] {strides = array<i32>} : memref<32x512xf32, #tpu.memory_space<vmem>>, vector<16xf32>,
        %add3A_704 = arith.addf %add3A_700, %get3A_703 : vector<16xf32>
        %get3A_705 = arith.index_cast %scan3A_661 : i32 to index
        %get3A_706 = arith.constant 176 : index
        %get3A_707 = tpu.vector_load %arg8[%get3A_705, %get3A_706] {strides = array<i32>} : memref<32x512xf32, #tpu.memory_space<vmem>>, vector<16xf32>,
        %add3A_708 = arith.addf %add3A_704, %get3A_707 : vector<16xf32>
        %get3A_709 = arith.index_cast %scan3A_661 : i32 to index
        %get3A_710 = arith.constant 192 : index
        %get3A_711 = tpu.vector_load %arg8[%get3A_709, %get3A_710] {strides = array<i32>} : memref<32x512xf32, #tpu.memory_space<vmem>>, vector<16xf32>,
        %add3A_712 = arith.addf %add3A_708, %get3A_711 : vector<16xf32>
        %get3A_713 = arith.index_cast %scan3A_661 : i32 to index
        %get3A_714 = arith.constant 208 : index
        %get3A_715 = tpu.vector_load %arg8[%get3A_713, %get3A_714] {strides = array<i32>} : memref<32x512xf32, #tpu.memory_space<vmem>>, vector<16xf32>,
        %add3A_716 = arith.addf %add3A_712, %get3A_715 : vector<16xf32>
        %get3A_717 = arith.index_cast %scan3A_661 : i32 to index
        %get3A_718 = arith.constant 224 : index
        %get3A_719 = tpu.vector_load %arg8[%get3A_717, %get3A_718] {strides = array<i32>} : memref<32x512xf32, #tpu.memory_space<vmem>>, vector<16xf32>,
        %add3A_720 = arith.addf %add3A_716, %get3A_719 : vector<16xf32>
        %get3A_721 = arith.index_cast %scan3A_661 : i32 to index
        %get3A_722 = arith.constant 240 : index
        %get3A_723 = tpu.vector_load %arg8[%get3A_721, %get3A_722] {strides = array<i32>} : memref<32x512xf32, #tpu.memory_space<vmem>>, vector<16xf32>,
        %add3A_724 = arith.addf %add3A_720, %get3A_723 : vector<16xf32>
        %get3A_725 = arith.index_cast %scan3A_661 : i32 to index
        %get3A_726 = arith.constant 256 : index
        %get3A_727 = tpu.vector_load %arg8[%get3A_725, %get3A_726] {strides = array<i32>} : memref<32x512xf32, #tpu.memory_space<vmem>>, vector<16xf32>,
        %add3A_728 = arith.addf %add3A_724, %get3A_727 : vector<16xf32>
        %get3A_729 = arith.index_cast %scan3A_661 : i32 to index
        %get3A_730 = arith.constant 272 : index
        %get3A_731 = tpu.vector_load %arg8[%get3A_729, %get3A_730] {strides = array<i32>} : memref<32x512xf32, #tpu.memory_space<vmem>>, vector<16xf32>,
        %add3A_732 = arith.addf %add3A_728, %get3A_731 : vector<16xf32>
        %get3A_733 = arith.index_cast %scan3A_661 : i32 to index
        %get3A_734 = arith.constant 288 : index
        %get3A_735 = tpu.vector_load %arg8[%get3A_733, %get3A_734] {strides = array<i32>} : memref<32x512xf32, #tpu.memory_space<vmem>>, vector<16xf32>,
        %add3A_736 = arith.addf %add3A_732, %get3A_735 : vector<16xf32>
        %get3A_737 = arith.index_cast %scan3A_661 : i32 to index
        %get3A_738 = arith.constant 304 : index
        %get3A_739 = tpu.vector_load %arg8[%get3A_737, %get3A_738] {strides = array<i32>} : memref<32x512xf32, #tpu.memory_space<vmem>>, vector<16xf32>,
        %add3A_740 = arith.addf %add3A_736, %get3A_739 : vector<16xf32>
        %get3A_741 = arith.index_cast %scan3A_661 : i32 to index
        %get3A_742 = arith.constant 320 : index
        %get3A_743 = tpu.vector_load %arg8[%get3A_741, %get3A_742] {strides = array<i32>} : memref<32x512xf32, #tpu.memory_space<vmem>>, vector<16xf32>,
        %add3A_744 = arith.addf %add3A_740, %get3A_743 : vector<16xf32>
        %get3A_745 = arith.index_cast %scan3A_661 : i32 to index
        %get3A_746 = arith.constant 336 : index
        %get3A_747 = tpu.vector_load %arg8[%get3A_745, %get3A_746] {strides = array<i32>} : memref<32x512xf32, #tpu.memory_space<vmem>>, vector<16xf32>,
        %add3A_748 = arith.addf %add3A_744, %get3A_747 : vector<16xf32>
        %get3A_749 = arith.index_cast %scan3A_661 : i32 to index
        %get3A_750 = arith.constant 352 : index
        %get3A_751 = tpu.vector_load %arg8[%get3A_749, %get3A_750] {strides = array<i32>} : memref<32x512xf32, #tpu.memory_space<vmem>>, vector<16xf32>,
        %add3A_752 = arith.addf %add3A_748, %get3A_751 : vector<16xf32>
        %get3A_753 = arith.index_cast %scan3A_661 : i32 to index
        %get3A_754 = arith.constant 368 : index
        %get3A_755 = tpu.vector_load %arg8[%get3A_753, %get3A_754] {strides = array<i32>} : memref<32x512xf32, #tpu.memory_space<vmem>>, vector<16xf32>,
        %add3A_756 = arith.addf %add3A_752, %get3A_755 : vector<16xf32>
        %get3A_757 = arith.index_cast %scan3A_661 : i32 to index
        %get3A_758 = arith.constant 384 : index
        %get3A_759 = tpu.vector_load %arg8[%get3A_757, %get3A_758] {strides = array<i32>} : memref<32x512xf32, #tpu.memory_space<vmem>>, vector<16xf32>,
        %add3A_760 = arith.addf %add3A_756, %get3A_759 : vector<16xf32>
        %get3A_761 = arith.index_cast %scan3A_661 : i32 to index
        %get3A_762 = arith.constant 400 : index
        %get3A_763 = tpu.vector_load %arg8[%get3A_761, %get3A_762] {strides = array<i32>} : memref<32x512xf32, #tpu.memory_space<vmem>>, vector<16xf32>,
        %add3A_764 = arith.addf %add3A_760, %get3A_763 : vector<16xf32>
        %get3A_765 = arith.index_cast %scan3A_661 : i32 to index
        %get3A_766 = arith.constant 416 : index
        %get3A_767 = tpu.vector_load %arg8[%get3A_765, %get3A_766] {strides = array<i32>} : memref<32x512xf32, #tpu.memory_space<vmem>>, vector<16xf32>,
        %add3A_768 = arith.addf %add3A_764, %get3A_767 : vector<16xf32>
        %get3A_769 = arith.index_cast %scan3A_661 : i32 to index
        %get3A_770 = arith.constant 432 : index
        %get3A_771 = tpu.vector_load %arg8[%get3A_769, %get3A_770] {strides = array<i32>} : memref<32x512xf32, #tpu.memory_space<vmem>>, vector<16xf32>,
        %add3A_772 = arith.addf %add3A_768, %get3A_771 : vector<16xf32>
        %get3A_773 = arith.index_cast %scan3A_661 : i32 to index
        %get3A_774 = arith.constant 448 : index
        %get3A_775 = tpu.vector_load %arg8[%get3A_773, %get3A_774] {strides = array<i32>} : memref<32x512xf32, #tpu.memory_space<vmem>>, vector<16xf32>,
        %add3A_776 = arith.addf %add3A_772, %get3A_775 : vector<16xf32>
        %get3A_777 = arith.index_cast %scan3A_661 : i32 to index
        %get3A_778 = arith.constant 464 : index
        %get3A_779 = tpu.vector_load %arg8[%get3A_777, %get3A_778] {strides = array<i32>} : memref<32x512xf32, #tpu.memory_space<vmem>>, vector<16xf32>,
        %add3A_780 = arith.addf %add3A_776, %get3A_779 : vector<16xf32>
        %get3A_781 = arith.index_cast %scan3A_661 : i32 to index
        %get3A_782 = arith.constant 480 : index
        %get3A_783 = tpu.vector_load %arg8[%get3A_781, %get3A_782] {strides = array<i32>} : memref<32x512xf32, #tpu.memory_space<vmem>>, vector<16xf32>,
        %add3A_784 = arith.addf %add3A_780, %get3A_783 : vector<16xf32>
        %get3A_785 = arith.index_cast %scan3A_661 : i32 to index
        %get3A_786 = arith.constant 496 : index
        %get3A_787 = tpu.vector_load %arg8[%get3A_785, %get3A_786] {strides = array<i32>} : memref<32x512xf32, #tpu.memory_space<vmem>>, vector<16xf32>,
        %add3A_788 = arith.addf %add3A_784, %get3A_787 : vector<16xf32>
        %iota3A = tpu.iota {dimensions = array<i32: 0>} : vector<16xi32>
        %mul3A_789 = arith.constant 32 : i32
        %mul3A_790 = vector.broadcast %mul3A_789 : i32 to vector<16xi32>
        %mul3A_791 = arith.muli %iota3A, %mul3A_790 : vector<16xi32>
        %add3A_792 = vector.broadcast %scan3A_661 : i32 to vector<16xi32>
        %add3A_793 = arith.addi %mul3A_791, %add3A_792 : vector<16xi32>
        tpu.vector_store_idx %arg11[%add3A_793], %add3A_788 : memref<512xf32, #tpu.memory_space<vmem>>[vector<16xi32>], vector<16xf32>,
      }
      %scan3A_230 = arith.constant 32 : i32
      %get3A_231 = arith.constant 0 : index
      %get3A_232 = tpu.vector_load %arg11[%get3A_231] {strides = array<i32>} : memref<512xf32, #tpu.memory_space<vmem>>, vector<16xf32>,
      %get3A_233 = arith.constant 32 : index
      %get3A_234 = tpu.vector_load %arg11[%get3A_233] {strides = array<i32>} : memref<512xf32, #tpu.memory_space<vmem>>, vector<16xf32>,
      %add3A_235 = arith.addf %get3A_232, %get3A_234 : vector<16xf32>
      %get3A_236 = arith.constant 64 : index
      %get3A_237 = tpu.vector_load %arg11[%get3A_236] {strides = array<i32>} : memref<512xf32, #tpu.memory_space<vmem>>, vector<16xf32>,
      %add3A_238 = arith.addf %add3A_235, %get3A_237 : vector<16xf32>
      %get3A_239 = arith.constant 96 : index
      %get3A_240 = tpu.vector_load %arg11[%get3A_239] {strides = array<i32>} : memref<512xf32, #tpu.memory_space<vmem>>, vector<16xf32>,
      %add3A_241 = arith.addf %add3A_238, %get3A_240 : vector<16xf32>
      %get3A_242 = arith.constant 128 : index
      %get3A_243 = tpu.vector_load %arg11[%get3A_242] {strides = array<i32>} : memref<512xf32, #tpu.memory_space<vmem>>, vector<16xf32>,
      %add3A_244 = arith.addf %add3A_241, %get3A_243 : vector<16xf32>
      %get3A_245 = arith.constant 160 : index
      %get3A_246 = tpu.vector_load %arg11[%get3A_245] {strides = array<i32>} : memref<512xf32, #tpu.memory_space<vmem>>, vector<16xf32>,
      %add3A_247 = arith.addf %add3A_244, %get3A_246 : vector<16xf32>
      %get3A_248 = arith.constant 192 : index
      %get3A_249 = tpu.vector_load %arg11[%get3A_248] {strides = array<i32>} : memref<512xf32, #tpu.memory_space<vmem>>, vector<16xf32>,
      %add3A_250 = arith.addf %add3A_247, %get3A_249 : vector<16xf32>
      %get3A_251 = arith.constant 224 : index
      %get3A_252 = tpu.vector_load %arg11[%get3A_251] {strides = array<i32>} : memref<512xf32, #tpu.memory_space<vmem>>, vector<16xf32>,
      %add3A_253 = arith.addf %add3A_250, %get3A_252 : vector<16xf32>
      %get3A_254 = arith.constant 256 : index
      %get3A_255 = tpu.vector_load %arg11[%get3A_254] {strides = array<i32>} : memref<512xf32, #tpu.memory_space<vmem>>, vector<16xf32>,
      %add3A_256 = arith.addf %add3A_253, %get3A_255 : vector<16xf32>
      %get3A_257 = arith.constant 288 : index
      %get3A_258 = tpu.vector_load %arg11[%get3A_257] {strides = array<i32>} : memref<512xf32, #tpu.memory_space<vmem>>, vector<16xf32>,
      %add3A_259 = arith.addf %add3A_256, %get3A_258 : vector<16xf32>
      %get3A_260 = arith.constant 320 : index
      %get3A_261 = tpu.vector_load %arg11[%get3A_260] {strides = array<i32>} : memref<512xf32, #tpu.memory_space<vmem>>, vector<16xf32>,
      %add3A_262 = arith.addf %add3A_259, %get3A_261 : vector<16xf32>
      %get3A_263 = arith.constant 352 : index
      %get3A_264 = tpu.vector_load %arg11[%get3A_263] {strides = array<i32>} : memref<512xf32, #tpu.memory_space<vmem>>, vector<16xf32>,
      %add3A_265 = arith.addf %add3A_262, %get3A_264 : vector<16xf32>
      %get3A_266 = arith.constant 384 : index
      %get3A_267 = tpu.vector_load %arg11[%get3A_266] {strides = array<i32>} : memref<512xf32, #tpu.memory_space<vmem>>, vector<16xf32>,
      %add3A_268 = arith.addf %add3A_265, %get3A_267 : vector<16xf32>
      %get3A_269 = arith.constant 416 : index
      %get3A_270 = tpu.vector_load %arg11[%get3A_269] {strides = array<i32>} : memref<512xf32, #tpu.memory_space<vmem>>, vector<16xf32>,
      %add3A_271 = arith.addf %add3A_268, %get3A_270 : vector<16xf32>
      %get3A_272 = arith.constant 448 : index
      %get3A_273 = tpu.vector_load %arg11[%get3A_272] {strides = array<i32>} : memref<512xf32, #tpu.memory_space<vmem>>, vector<16xf32>,
      %add3A_274 = arith.addf %add3A_271, %get3A_273 : vector<16xf32>
      %get3A_275 = arith.constant 480 : index
      %get3A_276 = tpu.vector_load %arg11[%get3A_275] {strides = array<i32>} : memref<512xf32, #tpu.memory_space<vmem>>, vector<16xf32>,
      %add3A_277 = arith.addf %add3A_274, %get3A_276 : vector<16xf32>
      %ne3A_278 = arith.constant 0.000000e+00 : f32
      %ne3A_279 = vector.broadcast %ne3A_278 : f32 to vector<16xf32>
      %ne3A_280 = arith.cmpf one, %add3A_277, %ne3A_279 : vector<16xf32>
      %jit3A_281 = arith.constant 1 : i32
      %jit3A_282 = arith.constant 0 : i32
      %broadcast_in_dim3A_283 = vector.broadcast %jit3A_281 : i32 to vector<16xi32>
      %broadcast_in_dim3A_284 = vector.broadcast %jit3A_282 : i32 to vector<16xi32>
      %select_n3A_285 = arith.select %ne3A_280, %broadcast_in_dim3A_283, %broadcast_in_dim3A_284 : vector<16xi1>, vector<16xi32>
      %mul3A_286 = arith.constant 32 : i32
      %mul3A_287 = arith.muli %add3A_200, %mul3A_286 : i32
      %add3A_288 = arith.constant 0 : i32
      %add3A_289 = arith.addi %mul3A_287, %add3A_288 : i32
      %swap3A_290 = arith.index_cast %add3A_289 : i32 to index
      %swap3A_291 = tpu.vector_load %arg12[%swap3A_290] {strides = array<i32>} : memref<2048xi32, #tpu.memory_space<vmem>>, vector<16xi32>,
      tpu.vector_store %arg12[%swap3A_290], %select_n3A_285 {strides = array<i32>} : memref<2048xi32, #tpu.memory_space<vmem>>, vector<16xi32>,
      %get3A_292 = arith.constant 16 : index
      %get3A_293 = tpu.vector_load %arg11[%get3A_292] {strides = array<i32>} : memref<512xf32, #tpu.memory_space<vmem>>, vector<16xf32>,
      %get3A_294 = arith.constant 48 : index
      %get3A_295 = tpu.vector_load %arg11[%get3A_294] {strides = array<i32>} : memref<512xf32, #tpu.memory_space<vmem>>, vector<16xf32>,
      %add3A_296 = arith.addf %get3A_293, %get3A_295 : vector<16xf32>
      %get3A_297 = arith.constant 80 : index
      %get3A_298 = tpu.vector_load %arg11[%get3A_297] {strides = array<i32>} : memref<512xf32, #tpu.memory_space<vmem>>, vector<16xf32>,
      %add3A_299 = arith.addf %add3A_296, %get3A_298 : vector<16xf32>
      %get3A_300 = arith.constant 112 : index
      %get3A_301 = tpu.vector_load %arg11[%get3A_300] {strides = array<i32>} : memref<512xf32, #tpu.memory_space<vmem>>, vector<16xf32>,
      %add3A_302 = arith.addf %add3A_299, %get3A_301 : vector<16xf32>
      %get3A_303 = arith.constant 144 : index
      %get3A_304 = tpu.vector_load %arg11[%get3A_303] {strides = array<i32>} : memref<512xf32, #tpu.memory_space<vmem>>, vector<16xf32>,
      %add3A_305 = arith.addf %add3A_302, %get3A_304 : vector<16xf32>
      %get3A_306 = arith.constant 176 : index
      %get3A_307 = tpu.vector_load %arg11[%get3A_306] {strides = array<i32>} : memref<512xf32, #tpu.memory_space<vmem>>, vector<16xf32>,
      %add3A_308 = arith.addf %add3A_305, %get3A_307 : vector<16xf32>
      %get3A_309 = arith.constant 208 : index
      %get3A_310 = tpu.vector_load %arg11[%get3A_309] {strides = array<i32>} : memref<512xf32, #tpu.memory_space<vmem>>, vector<16xf32>,
      %add3A_311 = arith.addf %add3A_308, %get3A_310 : vector<16xf32>
      %get3A_312 = arith.constant 240 : index
      %get3A_313 = tpu.vector_load %arg11[%get3A_312] {strides = array<i32>} : memref<512xf32, #tpu.memory_space<vmem>>, vector<16xf32>,
      %add3A_314 = arith.addf %add3A_311, %get3A_313 : vector<16xf32>
      %get3A_315 = arith.constant 272 : index
      %get3A_316 = tpu.vector_load %arg11[%get3A_315] {strides = array<i32>} : memref<512xf32, #tpu.memory_space<vmem>>, vector<16xf32>,
      %add3A_317 = arith.addf %add3A_314, %get3A_316 : vector<16xf32>
      %get3A_318 = arith.constant 304 : index
      %get3A_319 = tpu.vector_load %arg11[%get3A_318] {strides = array<i32>} : memref<512xf32, #tpu.memory_space<vmem>>, vector<16xf32>,
      %add3A_320 = arith.addf %add3A_317, %get3A_319 : vector<16xf32>
      %get3A_321 = arith.constant 336 : index
      %get3A_322 = tpu.vector_load %arg11[%get3A_321] {strides = array<i32>} : memref<512xf32, #tpu.memory_space<vmem>>, vector<16xf32>,
      %add3A_323 = arith.addf %add3A_320, %get3A_322 : vector<16xf32>
      %get3A_324 = arith.constant 368 : index
      %get3A_325 = tpu.vector_load %arg11[%get3A_324] {strides = array<i32>} : memref<512xf32, #tpu.memory_space<vmem>>, vector<16xf32>,
      %add3A_326 = arith.addf %add3A_323, %get3A_325 : vector<16xf32>
      %get3A_327 = arith.constant 400 : index
      %get3A_328 = tpu.vector_load %arg11[%get3A_327] {strides = array<i32>} : memref<512xf32, #tpu.memory_space<vmem>>, vector<16xf32>,
      %add3A_329 = arith.addf %add3A_326, %get3A_328 : vector<16xf32>
      %get3A_330 = arith.constant 432 : index
      %get3A_331 = tpu.vector_load %arg11[%get3A_330] {strides = array<i32>} : memref<512xf32, #tpu.memory_space<vmem>>, vector<16xf32>,
      %add3A_332 = arith.addf %add3A_329, %get3A_331 : vector<16xf32>
      %get3A_333 = arith.constant 464 : index
      %get3A_334 = tpu.vector_load %arg11[%get3A_333] {strides = array<i32>} : memref<512xf32, #tpu.memory_space<vmem>>, vector<16xf32>,
      %add3A_335 = arith.addf %add3A_332, %get3A_334 : vector<16xf32>
      %get3A_336 = arith.constant 496 : index
      %get3A_337 = tpu.vector_load %arg11[%get3A_336] {strides = array<i32>} : memref<512xf32, #tpu.memory_space<vmem>>, vector<16xf32>,
      %add3A_338 = arith.addf %add3A_335, %get3A_337 : vector<16xf32>
      %ne3A_339 = arith.constant 0.000000e+00 : f32
      %ne3A_340 = vector.broadcast %ne3A_339 : f32 to vector<16xf32>
      %ne3A_341 = arith.cmpf one, %add3A_338, %ne3A_340 : vector<16xf32>
      %jit3A_342 = arith.constant 1 : i32
      %jit3A_343 = arith.constant 0 : i32
      %broadcast_in_dim3A_344 = vector.broadcast %jit3A_342 : i32 to vector<16xi32>
      %broadcast_in_dim3A_345 = vector.broadcast %jit3A_343 : i32 to vector<16xi32>
      %select_n3A_346 = arith.select %ne3A_341, %broadcast_in_dim3A_344, %broadcast_in_dim3A_345 : vector<16xi1>, vector<16xi32>
      %mul3A_347 = arith.constant 32 : i32
      %mul3A_348 = arith.muli %add3A_200, %mul3A_347 : i32
      %add3A_349 = arith.constant 16 : i32
      %add3A_350 = arith.addi %mul3A_348, %add3A_349 : i32
      %swap3A_351 = arith.index_cast %add3A_350 : i32 to index
      %swap3A_352 = tpu.vector_load %arg12[%swap3A_351] {strides = array<i32>} : memref<2048xi32, #tpu.memory_space<vmem>>, vector<16xi32>,
      tpu.vector_store %arg12[%swap3A_351], %select_n3A_346 {strides = array<i32>} : memref<2048xi32, #tpu.memory_space<vmem>>, vector<16xi32>,
      %add3A_353 = arith.constant 2 : i32
      %add3A_354 = arith.addi %add3A_51, %add3A_353 : i32
      %ge3A_355 = arith.constant 2 : i32
      %ge3A_356 = arith.cmpi sge, %add3A_354, %ge3A_355 : i32
      %convert_element_type3A_357 = arith.extui %ge3A_356 : i1 to i32
      %cond3A_358 = arith.constant 0 : i32
      %cond3A_359 = arith.cmpi ne, %convert_element_type3A_357, %cond3A_358 : i32
      scf.if %cond3A_359 {
        %dma_wait3A_661 = arith.constant 0 : i32
        %dma_wait3A_662 = tpu.memref_slice %arg4[%mul3A_2, %dma_wait3A_661] : memref<65536x512xf32, #tpu.memory_space<hbm>> -> memref<32x512xf32, #tpu.memory_space<hbm>>
        %dma_wait3A_663 = arith.constant 0 : i32
        %dma_wait3A_664 = tpu.memref_slice %arg4[%mul3A_2, %dma_wait3A_663] : memref<65536x512xf32, #tpu.memory_space<hbm>> -> memref<32x512xf32, #tpu.memory_space<hbm>>
        tpu.wait_dma2 semaphore(%arg17 : memref<!tpu.dma_semaphore, #tpu.memory_space<semaphore_mem>>) src(%arg7 : memref<32x512xf32, #tpu.memory_space<vmem>>) dst(%dma_wait3A_664 : memref<32x512xf32, #tpu.memory_space<hbm>>)
      } else {
      }
      %add3A_360 = arith.constant 2 : i32
      %add3A_361 = arith.addi %add3A_354, %add3A_360 : i32
      %lt3A_362 = arith.constant 64 : i32
      %lt3A_363 = arith.cmpi slt, %add3A_361, %lt3A_362 : i32
      %convert_element_type3A_364 = arith.extui %lt3A_363 : i1 to i32
      %cond3A_365 = arith.constant 0 : i32
      %cond3A_366 = arith.cmpi ne, %convert_element_type3A_364, %cond3A_365 : i32
      scf.if %cond3A_366 {
        %add3A_661 = arith.constant 2 : i32
        %add3A_662 = arith.addi %add3A_354, %add3A_661 : i32
        %mul3A_663 = arith.constant 32 : i32
        %mul3A_664 = arith.muli %add3A_662, %mul3A_663 : i32
        %dma_start3A_665 = tpu.memref_slice %arg6[%mul3A_664] : memref<2048xi32, #tpu.memory_space<vmem>> -> memref<32xi32, #tpu.memory_space<vmem>>
        %dma_start3A_666 = arith.constant 0 : i32
        %dma_start3A_667 = arith.constant 0 : i32
        %dma_start3A_668 = tpu.memref_slice %arg2[%dma_start3A_666, %dma_start3A_667] : memref<8192x512xf32, #tpu.memory_space<hbm>> -> memref<8192x512xf32, #tpu.memory_space<hbm>>
        tpu.enqueue_indirect_dma source(%dma_start3A_668 : memref<8192x512xf32, #tpu.memory_space<hbm>>) target(%arg7 : memref<32x512xf32, #tpu.memory_space<vmem>>) offsets(%dma_start3A_665 : memref<32xi32, #tpu.memory_space<vmem>>) semaphore(%arg13 : memref<!tpu.dma_semaphore, #tpu.memory_space<semaphore_mem>>)
      } else {
      }
      %dma_wait3A_367 = arith.constant 0 : i32
      %dma_wait3A_368 = tpu.memref_slice %arg6[%dma_wait3A_367] : memref<2048xi32, #tpu.memory_space<vmem>> -> memref<32xi32, #tpu.memory_space<vmem>>
      %dma_wait3A_369 = arith.constant 0 : i32
      %dma_wait3A_370 = arith.constant 0 : i32
      %dma_wait3A_371 = tpu.memref_slice %arg2[%dma_wait3A_369, %dma_wait3A_370] : memref<8192x512xf32, #tpu.memory_space<hbm>> -> memref<8192x512xf32, #tpu.memory_space<hbm>>
      tpu.wait_indirect_dma semaphore(%arg15 : memref<!tpu.dma_semaphore, #tpu.memory_space<semaphore_mem>>) src(%dma_wait3A_371 : memref<8192x512xf32, #tpu.memory_space<hbm>>) dst(%arg9 : memref<32x512xf32, #tpu.memory_space<vmem>>)
      %mul3A_372 = arith.constant 32 : i32
      %mul3A_373 = arith.muli %add3A_354, %mul3A_372 : i32
      %add3A_374 = arith.addi %mul3A_2, %mul3A_373 : i32
      %dma_start3A_375 = arith.constant 0 : i32
      %dma_start3A_376 = tpu.memref_slice %arg4[%add3A_374, %dma_start3A_375] : memref<65536x512xf32, #tpu.memory_space<hbm>> -> memref<32x512xf32, #tpu.memory_space<hbm>>
      %dma_start3A_377 = arith.constant 0 : i32
      %dma_start3A_378 = tpu.memref_slice %arg4[%add3A_374, %dma_start3A_377] : memref<65536x512xf32, #tpu.memory_space<hbm>> -> memref<32x512xf32, #tpu.memory_space<hbm>>
      tpu.enqueue_dma source(%arg9 : memref<32x512xf32, #tpu.memory_space<vmem>>) target(%dma_start3A_378 : memref<32x512xf32, #tpu.memory_space<hbm>>) target_semaphore(%arg19 : memref<!tpu.dma_semaphore, #tpu.memory_space<semaphore_mem>>)
      %scan3A_379 = arith.constant 0 : i32
      %scan3A_380 = arith.constant 0 : i32
      %scan3A_381 = arith.constant 32 : i32
      %scan3A_382 = arith.addi %scan3A_380, %scan3A_381 : i32
      %scan3A_383 = arith.constant 1 : i32
      scf.for %scan3A_661 = %scan3A_380 to %scan3A_382 step %scan3A_383  : i32 {
        %get3A_662 = arith.index_cast %scan3A_661 : i32 to index
        %get3A_663 = arith.constant 0 : index
        %get3A_664 = tpu.vector_load %arg9[%get3A_662, %get3A_663] {strides = array<i32>} : memref<32x512xf32, #tpu.memory_space<vmem>>, vector<16xf32>,
        %get3A_665 = arith.index_cast %scan3A_661 : i32 to index
        %get3A_666 = arith.constant 16 : index
        %get3A_667 = tpu.vector_load %arg9[%get3A_665, %get3A_666] {strides = array<i32>} : memref<32x512xf32, #tpu.memory_space<vmem>>, vector<16xf32>,
        %add3A_668 = arith.addf %get3A_664, %get3A_667 : vector<16xf32>
        %get3A_669 = arith.index_cast %scan3A_661 : i32 to index
        %get3A_670 = arith.constant 32 : index
        %get3A_671 = tpu.vector_load %arg9[%get3A_669, %get3A_670] {strides = array<i32>} : memref<32x512xf32, #tpu.memory_space<vmem>>, vector<16xf32>,
        %add3A_672 = arith.addf %add3A_668, %get3A_671 : vector<16xf32>
        %get3A_673 = arith.index_cast %scan3A_661 : i32 to index
        %get3A_674 = arith.constant 48 : index
        %get3A_675 = tpu.vector_load %arg9[%get3A_673, %get3A_674] {strides = array<i32>} : memref<32x512xf32, #tpu.memory_space<vmem>>, vector<16xf32>,
        %add3A_676 = arith.addf %add3A_672, %get3A_675 : vector<16xf32>
        %get3A_677 = arith.index_cast %scan3A_661 : i32 to index
        %get3A_678 = arith.constant 64 : index
        %get3A_679 = tpu.vector_load %arg9[%get3A_677, %get3A_678] {strides = array<i32>} : memref<32x512xf32, #tpu.memory_space<vmem>>, vector<16xf32>,
        %add3A_680 = arith.addf %add3A_676, %get3A_679 : vector<16xf32>
        %get3A_681 = arith.index_cast %scan3A_661 : i32 to index
        %get3A_682 = arith.constant 80 : index
        %get3A_683 = tpu.vector_load %arg9[%get3A_681, %get3A_682] {strides = array<i32>} : memref<32x512xf32, #tpu.memory_space<vmem>>, vector<16xf32>,
        %add3A_684 = arith.addf %add3A_680, %get3A_683 : vector<16xf32>
        %get3A_685 = arith.index_cast %scan3A_661 : i32 to index
        %get3A_686 = arith.constant 96 : index
        %get3A_687 = tpu.vector_load %arg9[%get3A_685, %get3A_686] {strides = array<i32>} : memref<32x512xf32, #tpu.memory_space<vmem>>, vector<16xf32>,
        %add3A_688 = arith.addf %add3A_684, %get3A_687 : vector<16xf32>
        %get3A_689 = arith.index_cast %scan3A_661 : i32 to index
        %get3A_690 = arith.constant 112 : index
        %get3A_691 = tpu.vector_load %arg9[%get3A_689, %get3A_690] {strides = array<i32>} : memref<32x512xf32, #tpu.memory_space<vmem>>, vector<16xf32>,
        %add3A_692 = arith.addf %add3A_688, %get3A_691 : vector<16xf32>
        %get3A_693 = arith.index_cast %scan3A_661 : i32 to index
        %get3A_694 = arith.constant 128 : index
        %get3A_695 = tpu.vector_load %arg9[%get3A_693, %get3A_694] {strides = array<i32>} : memref<32x512xf32, #tpu.memory_space<vmem>>, vector<16xf32>,
        %add3A_696 = arith.addf %add3A_692, %get3A_695 : vector<16xf32>
        %get3A_697 = arith.index_cast %scan3A_661 : i32 to index
        %get3A_698 = arith.constant 144 : index
        %get3A_699 = tpu.vector_load %arg9[%get3A_697, %get3A_698] {strides = array<i32>} : memref<32x512xf32, #tpu.memory_space<vmem>>, vector<16xf32>,
        %add3A_700 = arith.addf %add3A_696, %get3A_699 : vector<16xf32>
        %get3A_701 = arith.index_cast %scan3A_661 : i32 to index
        %get3A_702 = arith.constant 160 : index
        %get3A_703 = tpu.vector_load %arg9[%get3A_701, %get3A_702] {strides = array<i32>} : memref<32x512xf32, #tpu.memory_space<vmem>>, vector<16xf32>,
        %add3A_704 = arith.addf %add3A_700, %get3A_703 : vector<16xf32>
        %get3A_705 = arith.index_cast %scan3A_661 : i32 to index
        %get3A_706 = arith.constant 176 : index
        %get3A_707 = tpu.vector_load %arg9[%get3A_705, %get3A_706] {strides = array<i32>} : memref<32x512xf32, #tpu.memory_space<vmem>>, vector<16xf32>,
        %add3A_708 = arith.addf %add3A_704, %get3A_707 : vector<16xf32>
        %get3A_709 = arith.index_cast %scan3A_661 : i32 to index
        %get3A_710 = arith.constant 192 : index
        %get3A_711 = tpu.vector_load %arg9[%get3A_709, %get3A_710] {strides = array<i32>} : memref<32x512xf32, #tpu.memory_space<vmem>>, vector<16xf32>,
        %add3A_712 = arith.addf %add3A_708, %get3A_711 : vector<16xf32>
        %get3A_713 = arith.index_cast %scan3A_661 : i32 to index
        %get3A_714 = arith.constant 208 : index
        %get3A_715 = tpu.vector_load %arg9[%get3A_713, %get3A_714] {strides = array<i32>} : memref<32x512xf32, #tpu.memory_space<vmem>>, vector<16xf32>,
        %add3A_716 = arith.addf %add3A_712, %get3A_715 : vector<16xf32>
        %get3A_717 = arith.index_cast %scan3A_661 : i32 to index
        %get3A_718 = arith.constant 224 : index
        %get3A_719 = tpu.vector_load %arg9[%get3A_717, %get3A_718] {strides = array<i32>} : memref<32x512xf32, #tpu.memory_space<vmem>>, vector<16xf32>,
        %add3A_720 = arith.addf %add3A_716, %get3A_719 : vector<16xf32>
        %get3A_721 = arith.index_cast %scan3A_661 : i32 to index
        %get3A_722 = arith.constant 240 : index
        %get3A_723 = tpu.vector_load %arg9[%get3A_721, %get3A_722] {strides = array<i32>} : memref<32x512xf32, #tpu.memory_space<vmem>>, vector<16xf32>,
        %add3A_724 = arith.addf %add3A_720, %get3A_723 : vector<16xf32>
        %get3A_725 = arith.index_cast %scan3A_661 : i32 to index
        %get3A_726 = arith.constant 256 : index
        %get3A_727 = tpu.vector_load %arg9[%get3A_725, %get3A_726] {strides = array<i32>} : memref<32x512xf32, #tpu.memory_space<vmem>>, vector<16xf32>,
        %add3A_728 = arith.addf %add3A_724, %get3A_727 : vector<16xf32>
        %get3A_729 = arith.index_cast %scan3A_661 : i32 to index
        %get3A_730 = arith.constant 272 : index
        %get3A_731 = tpu.vector_load %arg9[%get3A_729, %get3A_730] {strides = array<i32>} : memref<32x512xf32, #tpu.memory_space<vmem>>, vector<16xf32>,
        %add3A_732 = arith.addf %add3A_728, %get3A_731 : vector<16xf32>
        %get3A_733 = arith.index_cast %scan3A_661 : i32 to index
        %get3A_734 = arith.constant 288 : index
        %get3A_735 = tpu.vector_load %arg9[%get3A_733, %get3A_734] {strides = array<i32>} : memref<32x512xf32, #tpu.memory_space<vmem>>, vector<16xf32>,
        %add3A_736 = arith.addf %add3A_732, %get3A_735 : vector<16xf32>
        %get3A_737 = arith.index_cast %scan3A_661 : i32 to index
        %get3A_738 = arith.constant 304 : index
        %get3A_739 = tpu.vector_load %arg9[%get3A_737, %get3A_738] {strides = array<i32>} : memref<32x512xf32, #tpu.memory_space<vmem>>, vector<16xf32>,
        %add3A_740 = arith.addf %add3A_736, %get3A_739 : vector<16xf32>
        %get3A_741 = arith.index_cast %scan3A_661 : i32 to index
        %get3A_742 = arith.constant 320 : index
        %get3A_743 = tpu.vector_load %arg9[%get3A_741, %get3A_742] {strides = array<i32>} : memref<32x512xf32, #tpu.memory_space<vmem>>, vector<16xf32>,
        %add3A_744 = arith.addf %add3A_740, %get3A_743 : vector<16xf32>
        %get3A_745 = arith.index_cast %scan3A_661 : i32 to index
        %get3A_746 = arith.constant 336 : index
        %get3A_747 = tpu.vector_load %arg9[%get3A_745, %get3A_746] {strides = array<i32>} : memref<32x512xf32, #tpu.memory_space<vmem>>, vector<16xf32>,
        %add3A_748 = arith.addf %add3A_744, %get3A_747 : vector<16xf32>
        %get3A_749 = arith.index_cast %scan3A_661 : i32 to index
        %get3A_750 = arith.constant 352 : index
        %get3A_751 = tpu.vector_load %arg9[%get3A_749, %get3A_750] {strides = array<i32>} : memref<32x512xf32, #tpu.memory_space<vmem>>, vector<16xf32>,
        %add3A_752 = arith.addf %add3A_748, %get3A_751 : vector<16xf32>
        %get3A_753 = arith.index_cast %scan3A_661 : i32 to index
        %get3A_754 = arith.constant 368 : index
        %get3A_755 = tpu.vector_load %arg9[%get3A_753, %get3A_754] {strides = array<i32>} : memref<32x512xf32, #tpu.memory_space<vmem>>, vector<16xf32>,
        %add3A_756 = arith.addf %add3A_752, %get3A_755 : vector<16xf32>
        %get3A_757 = arith.index_cast %scan3A_661 : i32 to index
        %get3A_758 = arith.constant 384 : index
        %get3A_759 = tpu.vector_load %arg9[%get3A_757, %get3A_758] {strides = array<i32>} : memref<32x512xf32, #tpu.memory_space<vmem>>, vector<16xf32>,
        %add3A_760 = arith.addf %add3A_756, %get3A_759 : vector<16xf32>
        %get3A_761 = arith.index_cast %scan3A_661 : i32 to index
        %get3A_762 = arith.constant 400 : index
        %get3A_763 = tpu.vector_load %arg9[%get3A_761, %get3A_762] {strides = array<i32>} : memref<32x512xf32, #tpu.memory_space<vmem>>, vector<16xf32>,
        %add3A_764 = arith.addf %add3A_760, %get3A_763 : vector<16xf32>
        %get3A_765 = arith.index_cast %scan3A_661 : i32 to index
        %get3A_766 = arith.constant 416 : index
        %get3A_767 = tpu.vector_load %arg9[%get3A_765, %get3A_766] {strides = array<i32>} : memref<32x512xf32, #tpu.memory_space<vmem>>, vector<16xf32>,
        %add3A_768 = arith.addf %add3A_764, %get3A_767 : vector<16xf32>
        %get3A_769 = arith.index_cast %scan3A_661 : i32 to index
        %get3A_770 = arith.constant 432 : index
        %get3A_771 = tpu.vector_load %arg9[%get3A_769, %get3A_770] {strides = array<i32>} : memref<32x512xf32, #tpu.memory_space<vmem>>, vector<16xf32>,
        %add3A_772 = arith.addf %add3A_768, %get3A_771 : vector<16xf32>
        %get3A_773 = arith.index_cast %scan3A_661 : i32 to index
        %get3A_774 = arith.constant 448 : index
        %get3A_775 = tpu.vector_load %arg9[%get3A_773, %get3A_774] {strides = array<i32>} : memref<32x512xf32, #tpu.memory_space<vmem>>, vector<16xf32>,
        %add3A_776 = arith.addf %add3A_772, %get3A_775 : vector<16xf32>
        %get3A_777 = arith.index_cast %scan3A_661 : i32 to index
        %get3A_778 = arith.constant 464 : index
        %get3A_779 = tpu.vector_load %arg9[%get3A_777, %get3A_778] {strides = array<i32>} : memref<32x512xf32, #tpu.memory_space<vmem>>, vector<16xf32>,
        %add3A_780 = arith.addf %add3A_776, %get3A_779 : vector<16xf32>
        %get3A_781 = arith.index_cast %scan3A_661 : i32 to index
        %get3A_782 = arith.constant 480 : index
        %get3A_783 = tpu.vector_load %arg9[%get3A_781, %get3A_782] {strides = array<i32>} : memref<32x512xf32, #tpu.memory_space<vmem>>, vector<16xf32>,
        %add3A_784 = arith.addf %add3A_780, %get3A_783 : vector<16xf32>
        %get3A_785 = arith.index_cast %scan3A_661 : i32 to index
        %get3A_786 = arith.constant 496 : index
        %get3A_787 = tpu.vector_load %arg9[%get3A_785, %get3A_786] {strides = array<i32>} : memref<32x512xf32, #tpu.memory_space<vmem>>, vector<16xf32>,
        %add3A_788 = arith.addf %add3A_784, %get3A_787 : vector<16xf32>
        %iota3A = tpu.iota {dimensions = array<i32: 0>} : vector<16xi32>
        %mul3A_789 = arith.constant 32 : i32
        %mul3A_790 = vector.broadcast %mul3A_789 : i32 to vector<16xi32>
        %mul3A_791 = arith.muli %iota3A, %mul3A_790 : vector<16xi32>
        %add3A_792 = vector.broadcast %scan3A_661 : i32 to vector<16xi32>
        %add3A_793 = arith.addi %mul3A_791, %add3A_792 : vector<16xi32>
        tpu.vector_store_idx %arg11[%add3A_793], %add3A_788 : memref<512xf32, #tpu.memory_space<vmem>>[vector<16xi32>], vector<16xf32>,
      }
      %scan3A_384 = arith.constant 32 : i32
      %get3A_385 = arith.constant 0 : index
      %get3A_386 = tpu.vector_load %arg11[%get3A_385] {strides = array<i32>} : memref<512xf32, #tpu.memory_space<vmem>>, vector<16xf32>,
      %get3A_387 = arith.constant 32 : index
      %get3A_388 = tpu.vector_load %arg11[%get3A_387] {strides = array<i32>} : memref<512xf32, #tpu.memory_space<vmem>>, vector<16xf32>,
      %add3A_389 = arith.addf %get3A_386, %get3A_388 : vector<16xf32>
      %get3A_390 = arith.constant 64 : index
      %get3A_391 = tpu.vector_load %arg11[%get3A_390] {strides = array<i32>} : memref<512xf32, #tpu.memory_space<vmem>>, vector<16xf32>,
      %add3A_392 = arith.addf %add3A_389, %get3A_391 : vector<16xf32>
      %get3A_393 = arith.constant 96 : index
      %get3A_394 = tpu.vector_load %arg11[%get3A_393] {strides = array<i32>} : memref<512xf32, #tpu.memory_space<vmem>>, vector<16xf32>,
      %add3A_395 = arith.addf %add3A_392, %get3A_394 : vector<16xf32>
      %get3A_396 = arith.constant 128 : index
      %get3A_397 = tpu.vector_load %arg11[%get3A_396] {strides = array<i32>} : memref<512xf32, #tpu.memory_space<vmem>>, vector<16xf32>,
      %add3A_398 = arith.addf %add3A_395, %get3A_397 : vector<16xf32>
      %get3A_399 = arith.constant 160 : index
      %get3A_400 = tpu.vector_load %arg11[%get3A_399] {strides = array<i32>} : memref<512xf32, #tpu.memory_space<vmem>>, vector<16xf32>,
      %add3A_401 = arith.addf %add3A_398, %get3A_400 : vector<16xf32>
      %get3A_402 = arith.constant 192 : index
      %get3A_403 = tpu.vector_load %arg11[%get3A_402] {strides = array<i32>} : memref<512xf32, #tpu.memory_space<vmem>>, vector<16xf32>,
      %add3A_404 = arith.addf %add3A_401, %get3A_403 : vector<16xf32>
      %get3A_405 = arith.constant 224 : index
      %get3A_406 = tpu.vector_load %arg11[%get3A_405] {strides = array<i32>} : memref<512xf32, #tpu.memory_space<vmem>>, vector<16xf32>,
      %add3A_407 = arith.addf %add3A_404, %get3A_406 : vector<16xf32>
      %get3A_408 = arith.constant 256 : index
      %get3A_409 = tpu.vector_load %arg11[%get3A_408] {strides = array<i32>} : memref<512xf32, #tpu.memory_space<vmem>>, vector<16xf32>,
      %add3A_410 = arith.addf %add3A_407, %get3A_409 : vector<16xf32>
      %get3A_411 = arith.constant 288 : index
      %get3A_412 = tpu.vector_load %arg11[%get3A_411] {strides = array<i32>} : memref<512xf32, #tpu.memory_space<vmem>>, vector<16xf32>,
      %add3A_413 = arith.addf %add3A_410, %get3A_412 : vector<16xf32>
      %get3A_414 = arith.constant 320 : index
      %get3A_415 = tpu.vector_load %arg11[%get3A_414] {strides = array<i32>} : memref<512xf32, #tpu.memory_space<vmem>>, vector<16xf32>,
      %add3A_416 = arith.addf %add3A_413, %get3A_415 : vector<16xf32>
      %get3A_417 = arith.constant 352 : index
      %get3A_418 = tpu.vector_load %arg11[%get3A_417] {strides = array<i32>} : memref<512xf32, #tpu.memory_space<vmem>>, vector<16xf32>,
      %add3A_419 = arith.addf %add3A_416, %get3A_418 : vector<16xf32>
      %get3A_420 = arith.constant 384 : index
      %get3A_421 = tpu.vector_load %arg11[%get3A_420] {strides = array<i32>} : memref<512xf32, #tpu.memory_space<vmem>>, vector<16xf32>,
      %add3A_422 = arith.addf %add3A_419, %get3A_421 : vector<16xf32>
      %get3A_423 = arith.constant 416 : index
      %get3A_424 = tpu.vector_load %arg11[%get3A_423] {strides = array<i32>} : memref<512xf32, #tpu.memory_space<vmem>>, vector<16xf32>,
      %add3A_425 = arith.addf %add3A_422, %get3A_424 : vector<16xf32>
      %get3A_426 = arith.constant 448 : index
      %get3A_427 = tpu.vector_load %arg11[%get3A_426] {strides = array<i32>} : memref<512xf32, #tpu.memory_space<vmem>>, vector<16xf32>,
      %add3A_428 = arith.addf %add3A_425, %get3A_427 : vector<16xf32>
      %get3A_429 = arith.constant 480 : index
      %get3A_430 = tpu.vector_load %arg11[%get3A_429] {strides = array<i32>} : memref<512xf32, #tpu.memory_space<vmem>>, vector<16xf32>,
      %add3A_431 = arith.addf %add3A_428, %get3A_430 : vector<16xf32>
      %ne3A_432 = arith.constant 0.000000e+00 : f32
      %ne3A_433 = vector.broadcast %ne3A_432 : f32 to vector<16xf32>
      %ne3A_434 = arith.cmpf one, %add3A_431, %ne3A_433 : vector<16xf32>
      %jit3A_435 = arith.constant 1 : i32
      %jit3A_436 = arith.constant 0 : i32
      %broadcast_in_dim3A_437 = vector.broadcast %jit3A_435 : i32 to vector<16xi32>
      %broadcast_in_dim3A_438 = vector.broadcast %jit3A_436 : i32 to vector<16xi32>
      %select_n3A_439 = arith.select %ne3A_434, %broadcast_in_dim3A_437, %broadcast_in_dim3A_438 : vector<16xi1>, vector<16xi32>
      %mul3A_440 = arith.constant 32 : i32
      %mul3A_441 = arith.muli %add3A_354, %mul3A_440 : i32
      %add3A_442 = arith.constant 0 : i32
      %add3A_443 = arith.addi %mul3A_441, %add3A_442 : i32
      %swap3A_444 = arith.index_cast %add3A_443 : i32 to index
      %swap3A_445 = tpu.vector_load %arg12[%swap3A_444] {strides = array<i32>} : memref<2048xi32, #tpu.memory_space<vmem>>, vector<16xi32>,
      tpu.vector_store %arg12[%swap3A_444], %select_n3A_439 {strides = array<i32>} : memref<2048xi32, #tpu.memory_space<vmem>>, vector<16xi32>,
      %get3A_446 = arith.constant 16 : index
      %get3A_447 = tpu.vector_load %arg11[%get3A_446] {strides = array<i32>} : memref<512xf32, #tpu.memory_space<vmem>>, vector<16xf32>,
      %get3A_448 = arith.constant 48 : index
      %get3A_449 = tpu.vector_load %arg11[%get3A_448] {strides = array<i32>} : memref<512xf32, #tpu.memory_space<vmem>>, vector<16xf32>,
      %add3A_450 = arith.addf %get3A_447, %get3A_449 : vector<16xf32>
      %get3A_451 = arith.constant 80 : index
      %get3A_452 = tpu.vector_load %arg11[%get3A_451] {strides = array<i32>} : memref<512xf32, #tpu.memory_space<vmem>>, vector<16xf32>,
      %add3A_453 = arith.addf %add3A_450, %get3A_452 : vector<16xf32>
      %get3A_454 = arith.constant 112 : index
      %get3A_455 = tpu.vector_load %arg11[%get3A_454] {strides = array<i32>} : memref<512xf32, #tpu.memory_space<vmem>>, vector<16xf32>,
      %add3A_456 = arith.addf %add3A_453, %get3A_455 : vector<16xf32>
      %get3A_457 = arith.constant 144 : index
      %get3A_458 = tpu.vector_load %arg11[%get3A_457] {strides = array<i32>} : memref<512xf32, #tpu.memory_space<vmem>>, vector<16xf32>,
      %add3A_459 = arith.addf %add3A_456, %get3A_458 : vector<16xf32>
      %get3A_460 = arith.constant 176 : index
      %get3A_461 = tpu.vector_load %arg11[%get3A_460] {strides = array<i32>} : memref<512xf32, #tpu.memory_space<vmem>>, vector<16xf32>,
      %add3A_462 = arith.addf %add3A_459, %get3A_461 : vector<16xf32>
      %get3A_463 = arith.constant 208 : index
      %get3A_464 = tpu.vector_load %arg11[%get3A_463] {strides = array<i32>} : memref<512xf32, #tpu.memory_space<vmem>>, vector<16xf32>,
      %add3A_465 = arith.addf %add3A_462, %get3A_464 : vector<16xf32>
      %get3A_466 = arith.constant 240 : index
      %get3A_467 = tpu.vector_load %arg11[%get3A_466] {strides = array<i32>} : memref<512xf32, #tpu.memory_space<vmem>>, vector<16xf32>,
      %add3A_468 = arith.addf %add3A_465, %get3A_467 : vector<16xf32>
      %get3A_469 = arith.constant 272 : index
      %get3A_470 = tpu.vector_load %arg11[%get3A_469] {strides = array<i32>} : memref<512xf32, #tpu.memory_space<vmem>>, vector<16xf32>,
      %add3A_471 = arith.addf %add3A_468, %get3A_470 : vector<16xf32>
      %get3A_472 = arith.constant 304 : index
      %get3A_473 = tpu.vector_load %arg11[%get3A_472] {strides = array<i32>} : memref<512xf32, #tpu.memory_space<vmem>>, vector<16xf32>,
      %add3A_474 = arith.addf %add3A_471, %get3A_473 : vector<16xf32>
      %get3A_475 = arith.constant 336 : index
      %get3A_476 = tpu.vector_load %arg11[%get3A_475] {strides = array<i32>} : memref<512xf32, #tpu.memory_space<vmem>>, vector<16xf32>,
      %add3A_477 = arith.addf %add3A_474, %get3A_476 : vector<16xf32>
      %get3A_478 = arith.constant 368 : index
      %get3A_479 = tpu.vector_load %arg11[%get3A_478] {strides = array<i32>} : memref<512xf32, #tpu.memory_space<vmem>>, vector<16xf32>,
      %add3A_480 = arith.addf %add3A_477, %get3A_479 : vector<16xf32>
      %get3A_481 = arith.constant 400 : index
      %get3A_482 = tpu.vector_load %arg11[%get3A_481] {strides = array<i32>} : memref<512xf32, #tpu.memory_space<vmem>>, vector<16xf32>,
      %add3A_483 = arith.addf %add3A_480, %get3A_482 : vector<16xf32>
      %get3A_484 = arith.constant 432 : index
      %get3A_485 = tpu.vector_load %arg11[%get3A_484] {strides = array<i32>} : memref<512xf32, #tpu.memory_space<vmem>>, vector<16xf32>,
      %add3A_486 = arith.addf %add3A_483, %get3A_485 : vector<16xf32>
      %get3A_487 = arith.constant 464 : index
      %get3A_488 = tpu.vector_load %arg11[%get3A_487] {strides = array<i32>} : memref<512xf32, #tpu.memory_space<vmem>>, vector<16xf32>,
      %add3A_489 = arith.addf %add3A_486, %get3A_488 : vector<16xf32>
      %get3A_490 = arith.constant 496 : index
      %get3A_491 = tpu.vector_load %arg11[%get3A_490] {strides = array<i32>} : memref<512xf32, #tpu.memory_space<vmem>>, vector<16xf32>,
      %add3A_492 = arith.addf %add3A_489, %get3A_491 : vector<16xf32>
      %ne3A_493 = arith.constant 0.000000e+00 : f32
      %ne3A_494 = vector.broadcast %ne3A_493 : f32 to vector<16xf32>
      %ne3A_495 = arith.cmpf one, %add3A_492, %ne3A_494 : vector<16xf32>
      %jit3A_496 = arith.constant 1 : i32
      %jit3A_497 = arith.constant 0 : i32
      %broadcast_in_dim3A_498 = vector.broadcast %jit3A_496 : i32 to vector<16xi32>
      %broadcast_in_dim3A_499 = vector.broadcast %jit3A_497 : i32 to vector<16xi32>
      %select_n3A_500 = arith.select %ne3A_495, %broadcast_in_dim3A_498, %broadcast_in_dim3A_499 : vector<16xi1>, vector<16xi32>
      %mul3A_501 = arith.constant 32 : i32
      %mul3A_502 = arith.muli %add3A_354, %mul3A_501 : i32
      %add3A_503 = arith.constant 16 : i32
      %add3A_504 = arith.addi %mul3A_502, %add3A_503 : i32
      %swap3A_505 = arith.index_cast %add3A_504 : i32 to index
      %swap3A_506 = tpu.vector_load %arg12[%swap3A_505] {strides = array<i32>} : memref<2048xi32, #tpu.memory_space<vmem>>, vector<16xi32>,
      tpu.vector_store %arg12[%swap3A_505], %select_n3A_500 {strides = array<i32>} : memref<2048xi32, #tpu.memory_space<vmem>>, vector<16xi32>,
      %add3A_507 = arith.constant 3 : i32
      %add3A_508 = arith.addi %add3A_51, %add3A_507 : i32
      %ge3A_509 = arith.constant 2 : i32
      %ge3A_510 = arith.cmpi sge, %add3A_508, %ge3A_509 : i32
      %convert_element_type3A_511 = arith.extui %ge3A_510 : i1 to i32
      %cond3A_512 = arith.constant 0 : i32
      %cond3A_513 = arith.cmpi ne, %convert_element_type3A_511, %cond3A_512 : i32
      scf.if %cond3A_513 {
        %dma_wait3A_661 = arith.constant 0 : i32
        %dma_wait3A_662 = tpu.memref_slice %arg4[%mul3A_2, %dma_wait3A_661] : memref<65536x512xf32, #tpu.memory_space<hbm>> -> memref<32x512xf32, #tpu.memory_space<hbm>>
        %dma_wait3A_663 = arith.constant 0 : i32
        %dma_wait3A_664 = tpu.memref_slice %arg4[%mul3A_2, %dma_wait3A_663] : memref<65536x512xf32, #tpu.memory_space<hbm>> -> memref<32x512xf32, #tpu.memory_space<hbm>>
        tpu.wait_dma2 semaphore(%arg18 : memref<!tpu.dma_semaphore, #tpu.memory_space<semaphore_mem>>) src(%arg8 : memref<32x512xf32, #tpu.memory_space<vmem>>) dst(%dma_wait3A_664 : memref<32x512xf32, #tpu.memory_space<hbm>>)
      } else {
      }
      %add3A_514 = arith.constant 2 : i32
      %add3A_515 = arith.addi %add3A_508, %add3A_514 : i32
      %lt3A_516 = arith.constant 64 : i32
      %lt3A_517 = arith.cmpi slt, %add3A_515, %lt3A_516 : i32
      %convert_element_type3A_518 = arith.extui %lt3A_517 : i1 to i32
      %cond3A_519 = arith.constant 0 : i32
      %cond3A_520 = arith.cmpi ne, %convert_element_type3A_518, %cond3A_519 : i32
      scf.if %cond3A_520 {
        %add3A_661 = arith.constant 2 : i32
        %add3A_662 = arith.addi %add3A_508, %add3A_661 : i32
        %mul3A_663 = arith.constant 32 : i32
        %mul3A_664 = arith.muli %add3A_662, %mul3A_663 : i32
        %dma_start3A_665 = tpu.memref_slice %arg6[%mul3A_664] : memref<2048xi32, #tpu.memory_space<vmem>> -> memref<32xi32, #tpu.memory_space<vmem>>
        %dma_start3A_666 = arith.constant 0 : i32
        %dma_start3A_667 = arith.constant 0 : i32
        %dma_start3A_668 = tpu.memref_slice %arg2[%dma_start3A_666, %dma_start3A_667] : memref<8192x512xf32, #tpu.memory_space<hbm>> -> memref<8192x512xf32, #tpu.memory_space<hbm>>
        tpu.enqueue_indirect_dma source(%dma_start3A_668 : memref<8192x512xf32, #tpu.memory_space<hbm>>) target(%arg8 : memref<32x512xf32, #tpu.memory_space<vmem>>) offsets(%dma_start3A_665 : memref<32xi32, #tpu.memory_space<vmem>>) semaphore(%arg14 : memref<!tpu.dma_semaphore, #tpu.memory_space<semaphore_mem>>)
      } else {
      }
      %dma_wait3A_521 = arith.constant 0 : i32
      %dma_wait3A_522 = tpu.memref_slice %arg6[%dma_wait3A_521] : memref<2048xi32, #tpu.memory_space<vmem>> -> memref<32xi32, #tpu.memory_space<vmem>>
      %dma_wait3A_523 = arith.constant 0 : i32
      %dma_wait3A_524 = arith.constant 0 : i32
      %dma_wait3A_525 = tpu.memref_slice %arg2[%dma_wait3A_523, %dma_wait3A_524] : memref<8192x512xf32, #tpu.memory_space<hbm>> -> memref<8192x512xf32, #tpu.memory_space<hbm>>
      tpu.wait_indirect_dma semaphore(%arg16 : memref<!tpu.dma_semaphore, #tpu.memory_space<semaphore_mem>>) src(%dma_wait3A_525 : memref<8192x512xf32, #tpu.memory_space<hbm>>) dst(%arg10 : memref<32x512xf32, #tpu.memory_space<vmem>>)
      %mul3A_526 = arith.constant 32 : i32
      %mul3A_527 = arith.muli %add3A_508, %mul3A_526 : i32
      %add3A_528 = arith.addi %mul3A_2, %mul3A_527 : i32
      %dma_start3A_529 = arith.constant 0 : i32
      %dma_start3A_530 = tpu.memref_slice %arg4[%add3A_528, %dma_start3A_529] : memref<65536x512xf32, #tpu.memory_space<hbm>> -> memref<32x512xf32, #tpu.memory_space<hbm>>
      %dma_start3A_531 = arith.constant 0 : i32
      %dma_start3A_532 = tpu.memref_slice %arg4[%add3A_528, %dma_start3A_531] : memref<65536x512xf32, #tpu.memory_space<hbm>> -> memref<32x512xf32, #tpu.memory_space<hbm>>
      tpu.enqueue_dma source(%arg10 : memref<32x512xf32, #tpu.memory_space<vmem>>) target(%dma_start3A_532 : memref<32x512xf32, #tpu.memory_space<hbm>>) target_semaphore(%arg20 : memref<!tpu.dma_semaphore, #tpu.memory_space<semaphore_mem>>)
      %scan3A_533 = arith.constant 0 : i32
      %scan3A_534 = arith.constant 0 : i32
      %scan3A_535 = arith.constant 32 : i32
      %scan3A_536 = arith.addi %scan3A_534, %scan3A_535 : i32
      %scan3A_537 = arith.constant 1 : i32
      scf.for %scan3A_661 = %scan3A_534 to %scan3A_536 step %scan3A_537  : i32 {
        %get3A_662 = arith.index_cast %scan3A_661 : i32 to index
        %get3A_663 = arith.constant 0 : index
        %get3A_664 = tpu.vector_load %arg10[%get3A_662, %get3A_663] {strides = array<i32>} : memref<32x512xf32, #tpu.memory_space<vmem>>, vector<16xf32>,
        %get3A_665 = arith.index_cast %scan3A_661 : i32 to index
        %get3A_666 = arith.constant 16 : index
        %get3A_667 = tpu.vector_load %arg10[%get3A_665, %get3A_666] {strides = array<i32>} : memref<32x512xf32, #tpu.memory_space<vmem>>, vector<16xf32>,
        %add3A_668 = arith.addf %get3A_664, %get3A_667 : vector<16xf32>
        %get3A_669 = arith.index_cast %scan3A_661 : i32 to index
        %get3A_670 = arith.constant 32 : index
        %get3A_671 = tpu.vector_load %arg10[%get3A_669, %get3A_670] {strides = array<i32>} : memref<32x512xf32, #tpu.memory_space<vmem>>, vector<16xf32>,
        %add3A_672 = arith.addf %add3A_668, %get3A_671 : vector<16xf32>
        %get3A_673 = arith.index_cast %scan3A_661 : i32 to index
        %get3A_674 = arith.constant 48 : index
        %get3A_675 = tpu.vector_load %arg10[%get3A_673, %get3A_674] {strides = array<i32>} : memref<32x512xf32, #tpu.memory_space<vmem>>, vector<16xf32>,
        %add3A_676 = arith.addf %add3A_672, %get3A_675 : vector<16xf32>
        %get3A_677 = arith.index_cast %scan3A_661 : i32 to index
        %get3A_678 = arith.constant 64 : index
        %get3A_679 = tpu.vector_load %arg10[%get3A_677, %get3A_678] {strides = array<i32>} : memref<32x512xf32, #tpu.memory_space<vmem>>, vector<16xf32>,
        %add3A_680 = arith.addf %add3A_676, %get3A_679 : vector<16xf32>
        %get3A_681 = arith.index_cast %scan3A_661 : i32 to index
        %get3A_682 = arith.constant 80 : index
        %get3A_683 = tpu.vector_load %arg10[%get3A_681, %get3A_682] {strides = array<i32>} : memref<32x512xf32, #tpu.memory_space<vmem>>, vector<16xf32>,
        %add3A_684 = arith.addf %add3A_680, %get3A_683 : vector<16xf32>
        %get3A_685 = arith.index_cast %scan3A_661 : i32 to index
        %get3A_686 = arith.constant 96 : index
        %get3A_687 = tpu.vector_load %arg10[%get3A_685, %get3A_686] {strides = array<i32>} : memref<32x512xf32, #tpu.memory_space<vmem>>, vector<16xf32>,
        %add3A_688 = arith.addf %add3A_684, %get3A_687 : vector<16xf32>
        %get3A_689 = arith.index_cast %scan3A_661 : i32 to index
        %get3A_690 = arith.constant 112 : index
        %get3A_691 = tpu.vector_load %arg10[%get3A_689, %get3A_690] {strides = array<i32>} : memref<32x512xf32, #tpu.memory_space<vmem>>, vector<16xf32>,
        %add3A_692 = arith.addf %add3A_688, %get3A_691 : vector<16xf32>
        %get3A_693 = arith.index_cast %scan3A_661 : i32 to index
        %get3A_694 = arith.constant 128 : index
        %get3A_695 = tpu.vector_load %arg10[%get3A_693, %get3A_694] {strides = array<i32>} : memref<32x512xf32, #tpu.memory_space<vmem>>, vector<16xf32>,
        %add3A_696 = arith.addf %add3A_692, %get3A_695 : vector<16xf32>
        %get3A_697 = arith.index_cast %scan3A_661 : i32 to index
        %get3A_698 = arith.constant 144 : index
        %get3A_699 = tpu.vector_load %arg10[%get3A_697, %get3A_698] {strides = array<i32>} : memref<32x512xf32, #tpu.memory_space<vmem>>, vector<16xf32>,
        %add3A_700 = arith.addf %add3A_696, %get3A_699 : vector<16xf32>
        %get3A_701 = arith.index_cast %scan3A_661 : i32 to index
        %get3A_702 = arith.constant 160 : index
        %get3A_703 = tpu.vector_load %arg10[%get3A_701, %get3A_702] {strides = array<i32>} : memref<32x512xf32, #tpu.memory_space<vmem>>, vector<16xf32>,
        %add3A_704 = arith.addf %add3A_700, %get3A_703 : vector<16xf32>
        %get3A_705 = arith.index_cast %scan3A_661 : i32 to index
        %get3A_706 = arith.constant 176 : index
        %get3A_707 = tpu.vector_load %arg10[%get3A_705, %get3A_706] {strides = array<i32>} : memref<32x512xf32, #tpu.memory_space<vmem>>, vector<16xf32>,
        %add3A_708 = arith.addf %add3A_704, %get3A_707 : vector<16xf32>
        %get3A_709 = arith.index_cast %scan3A_661 : i32 to index
        %get3A_710 = arith.constant 192 : index
        %get3A_711 = tpu.vector_load %arg10[%get3A_709, %get3A_710] {strides = array<i32>} : memref<32x512xf32, #tpu.memory_space<vmem>>, vector<16xf32>,
        %add3A_712 = arith.addf %add3A_708, %get3A_711 : vector<16xf32>
        %get3A_713 = arith.index_cast %scan3A_661 : i32 to index
        %get3A_714 = arith.constant 208 : index
        %get3A_715 = tpu.vector_load %arg10[%get3A_713, %get3A_714] {strides = array<i32>} : memref<32x512xf32, #tpu.memory_space<vmem>>, vector<16xf32>,
        %add3A_716 = arith.addf %add3A_712, %get3A_715 : vector<16xf32>
        %get3A_717 = arith.index_cast %scan3A_661 : i32 to index
        %get3A_718 = arith.constant 224 : index
        %get3A_719 = tpu.vector_load %arg10[%get3A_717, %get3A_718] {strides = array<i32>} : memref<32x512xf32, #tpu.memory_space<vmem>>, vector<16xf32>,
        %add3A_720 = arith.addf %add3A_716, %get3A_719 : vector<16xf32>
        %get3A_721 = arith.index_cast %scan3A_661 : i32 to index
        %get3A_722 = arith.constant 240 : index
        %get3A_723 = tpu.vector_load %arg10[%get3A_721, %get3A_722] {strides = array<i32>} : memref<32x512xf32, #tpu.memory_space<vmem>>, vector<16xf32>,
        %add3A_724 = arith.addf %add3A_720, %get3A_723 : vector<16xf32>
        %get3A_725 = arith.index_cast %scan3A_661 : i32 to index
        %get3A_726 = arith.constant 256 : index
        %get3A_727 = tpu.vector_load %arg10[%get3A_725, %get3A_726] {strides = array<i32>} : memref<32x512xf32, #tpu.memory_space<vmem>>, vector<16xf32>,
        %add3A_728 = arith.addf %add3A_724, %get3A_727 : vector<16xf32>
        %get3A_729 = arith.index_cast %scan3A_661 : i32 to index
        %get3A_730 = arith.constant 272 : index
        %get3A_731 = tpu.vector_load %arg10[%get3A_729, %get3A_730] {strides = array<i32>} : memref<32x512xf32, #tpu.memory_space<vmem>>, vector<16xf32>,
        %add3A_732 = arith.addf %add3A_728, %get3A_731 : vector<16xf32>
        %get3A_733 = arith.index_cast %scan3A_661 : i32 to index
        %get3A_734 = arith.constant 288 : index
        %get3A_735 = tpu.vector_load %arg10[%get3A_733, %get3A_734] {strides = array<i32>} : memref<32x512xf32, #tpu.memory_space<vmem>>, vector<16xf32>,
        %add3A_736 = arith.addf %add3A_732, %get3A_735 : vector<16xf32>
        %get3A_737 = arith.index_cast %scan3A_661 : i32 to index
        %get3A_738 = arith.constant 304 : index
        %get3A_739 = tpu.vector_load %arg10[%get3A_737, %get3A_738] {strides = array<i32>} : memref<32x512xf32, #tpu.memory_space<vmem>>, vector<16xf32>,
        %add3A_740 = arith.addf %add3A_736, %get3A_739 : vector<16xf32>
        %get3A_741 = arith.index_cast %scan3A_661 : i32 to index
        %get3A_742 = arith.constant 320 : index
        %get3A_743 = tpu.vector_load %arg10[%get3A_741, %get3A_742] {strides = array<i32>} : memref<32x512xf32, #tpu.memory_space<vmem>>, vector<16xf32>,
        %add3A_744 = arith.addf %add3A_740, %get3A_743 : vector<16xf32>
        %get3A_745 = arith.index_cast %scan3A_661 : i32 to index
        %get3A_746 = arith.constant 336 : index
        %get3A_747 = tpu.vector_load %arg10[%get3A_745, %get3A_746] {strides = array<i32>} : memref<32x512xf32, #tpu.memory_space<vmem>>, vector<16xf32>,
        %add3A_748 = arith.addf %add3A_744, %get3A_747 : vector<16xf32>
        %get3A_749 = arith.index_cast %scan3A_661 : i32 to index
        %get3A_750 = arith.constant 352 : index
        %get3A_751 = tpu.vector_load %arg10[%get3A_749, %get3A_750] {strides = array<i32>} : memref<32x512xf32, #tpu.memory_space<vmem>>, vector<16xf32>,
        %add3A_752 = arith.addf %add3A_748, %get3A_751 : vector<16xf32>
        %get3A_753 = arith.index_cast %scan3A_661 : i32 to index
        %get3A_754 = arith.constant 368 : index
        %get3A_755 = tpu.vector_load %arg10[%get3A_753, %get3A_754] {strides = array<i32>} : memref<32x512xf32, #tpu.memory_space<vmem>>, vector<16xf32>,
        %add3A_756 = arith.addf %add3A_752, %get3A_755 : vector<16xf32>
        %get3A_757 = arith.index_cast %scan3A_661 : i32 to index
        %get3A_758 = arith.constant 384 : index
        %get3A_759 = tpu.vector_load %arg10[%get3A_757, %get3A_758] {strides = array<i32>} : memref<32x512xf32, #tpu.memory_space<vmem>>, vector<16xf32>,
        %add3A_760 = arith.addf %add3A_756, %get3A_759 : vector<16xf32>
        %get3A_761 = arith.index_cast %scan3A_661 : i32 to index
        %get3A_762 = arith.constant 400 : index
        %get3A_763 = tpu.vector_load %arg10[%get3A_761, %get3A_762] {strides = array<i32>} : memref<32x512xf32, #tpu.memory_space<vmem>>, vector<16xf32>,
        %add3A_764 = arith.addf %add3A_760, %get3A_763 : vector<16xf32>
        %get3A_765 = arith.index_cast %scan3A_661 : i32 to index
        %get3A_766 = arith.constant 416 : index
        %get3A_767 = tpu.vector_load %arg10[%get3A_765, %get3A_766] {strides = array<i32>} : memref<32x512xf32, #tpu.memory_space<vmem>>, vector<16xf32>,
        %add3A_768 = arith.addf %add3A_764, %get3A_767 : vector<16xf32>
        %get3A_769 = arith.index_cast %scan3A_661 : i32 to index
        %get3A_770 = arith.constant 432 : index
        %get3A_771 = tpu.vector_load %arg10[%get3A_769, %get3A_770] {strides = array<i32>} : memref<32x512xf32, #tpu.memory_space<vmem>>, vector<16xf32>,
        %add3A_772 = arith.addf %add3A_768, %get3A_771 : vector<16xf32>
        %get3A_773 = arith.index_cast %scan3A_661 : i32 to index
        %get3A_774 = arith.constant 448 : index
        %get3A_775 = tpu.vector_load %arg10[%get3A_773, %get3A_774] {strides = array<i32>} : memref<32x512xf32, #tpu.memory_space<vmem>>, vector<16xf32>,
        %add3A_776 = arith.addf %add3A_772, %get3A_775 : vector<16xf32>
        %get3A_777 = arith.index_cast %scan3A_661 : i32 to index
        %get3A_778 = arith.constant 464 : index
        %get3A_779 = tpu.vector_load %arg10[%get3A_777, %get3A_778] {strides = array<i32>} : memref<32x512xf32, #tpu.memory_space<vmem>>, vector<16xf32>,
        %add3A_780 = arith.addf %add3A_776, %get3A_779 : vector<16xf32>
        %get3A_781 = arith.index_cast %scan3A_661 : i32 to index
        %get3A_782 = arith.constant 480 : index
        %get3A_783 = tpu.vector_load %arg10[%get3A_781, %get3A_782] {strides = array<i32>} : memref<32x512xf32, #tpu.memory_space<vmem>>, vector<16xf32>,
        %add3A_784 = arith.addf %add3A_780, %get3A_783 : vector<16xf32>
        %get3A_785 = arith.index_cast %scan3A_661 : i32 to index
        %get3A_786 = arith.constant 496 : index
        %get3A_787 = tpu.vector_load %arg10[%get3A_785, %get3A_786] {strides = array<i32>} : memref<32x512xf32, #tpu.memory_space<vmem>>, vector<16xf32>,
        %add3A_788 = arith.addf %add3A_784, %get3A_787 : vector<16xf32>
        %iota3A = tpu.iota {dimensions = array<i32: 0>} : vector<16xi32>
        %mul3A_789 = arith.constant 32 : i32
        %mul3A_790 = vector.broadcast %mul3A_789 : i32 to vector<16xi32>
        %mul3A_791 = arith.muli %iota3A, %mul3A_790 : vector<16xi32>
        %add3A_792 = vector.broadcast %scan3A_661 : i32 to vector<16xi32>
        %add3A_793 = arith.addi %mul3A_791, %add3A_792 : vector<16xi32>
        tpu.vector_store_idx %arg11[%add3A_793], %add3A_788 : memref<512xf32, #tpu.memory_space<vmem>>[vector<16xi32>], vector<16xf32>,
      }
      %scan3A_538 = arith.constant 32 : i32
      %get3A_539 = arith.constant 0 : index
      %get3A_540 = tpu.vector_load %arg11[%get3A_539] {strides = array<i32>} : memref<512xf32, #tpu.memory_space<vmem>>, vector<16xf32>,
      %get3A_541 = arith.constant 32 : index
      %get3A_542 = tpu.vector_load %arg11[%get3A_541] {strides = array<i32>} : memref<512xf32, #tpu.memory_space<vmem>>, vector<16xf32>,
      %add3A_543 = arith.addf %get3A_540, %get3A_542 : vector<16xf32>
      %get3A_544 = arith.constant 64 : index
      %get3A_545 = tpu.vector_load %arg11[%get3A_544] {strides = array<i32>} : memref<512xf32, #tpu.memory_space<vmem>>, vector<16xf32>,
      %add3A_546 = arith.addf %add3A_543, %get3A_545 : vector<16xf32>
      %get3A_547 = arith.constant 96 : index
      %get3A_548 = tpu.vector_load %arg11[%get3A_547] {strides = array<i32>} : memref<512xf32, #tpu.memory_space<vmem>>, vector<16xf32>,
      %add3A_549 = arith.addf %add3A_546, %get3A_548 : vector<16xf32>
      %get3A_550 = arith.constant 128 : index
      %get3A_551 = tpu.vector_load %arg11[%get3A_550] {strides = array<i32>} : memref<512xf32, #tpu.memory_space<vmem>>, vector<16xf32>,
      %add3A_552 = arith.addf %add3A_549, %get3A_551 : vector<16xf32>
      %get3A_553 = arith.constant 160 : index
      %get3A_554 = tpu.vector_load %arg11[%get3A_553] {strides = array<i32>} : memref<512xf32, #tpu.memory_space<vmem>>, vector<16xf32>,
      %add3A_555 = arith.addf %add3A_552, %get3A_554 : vector<16xf32>
      %get3A_556 = arith.constant 192 : index
      %get3A_557 = tpu.vector_load %arg11[%get3A_556] {strides = array<i32>} : memref<512xf32, #tpu.memory_space<vmem>>, vector<16xf32>,
      %add3A_558 = arith.addf %add3A_555, %get3A_557 : vector<16xf32>
      %get3A_559 = arith.constant 224 : index
      %get3A_560 = tpu.vector_load %arg11[%get3A_559] {strides = array<i32>} : memref<512xf32, #tpu.memory_space<vmem>>, vector<16xf32>,
      %add3A_561 = arith.addf %add3A_558, %get3A_560 : vector<16xf32>
      %get3A_562 = arith.constant 256 : index
      %get3A_563 = tpu.vector_load %arg11[%get3A_562] {strides = array<i32>} : memref<512xf32, #tpu.memory_space<vmem>>, vector<16xf32>,
      %add3A_564 = arith.addf %add3A_561, %get3A_563 : vector<16xf32>
      %get3A_565 = arith.constant 288 : index
      %get3A_566 = tpu.vector_load %arg11[%get3A_565] {strides = array<i32>} : memref<512xf32, #tpu.memory_space<vmem>>, vector<16xf32>,
      %add3A_567 = arith.addf %add3A_564, %get3A_566 : vector<16xf32>
      %get3A_568 = arith.constant 320 : index
      %get3A_569 = tpu.vector_load %arg11[%get3A_568] {strides = array<i32>} : memref<512xf32, #tpu.memory_space<vmem>>, vector<16xf32>,
      %add3A_570 = arith.addf %add3A_567, %get3A_569 : vector<16xf32>
      %get3A_571 = arith.constant 352 : index
      %get3A_572 = tpu.vector_load %arg11[%get3A_571] {strides = array<i32>} : memref<512xf32, #tpu.memory_space<vmem>>, vector<16xf32>,
      %add3A_573 = arith.addf %add3A_570, %get3A_572 : vector<16xf32>
      %get3A_574 = arith.constant 384 : index
      %get3A_575 = tpu.vector_load %arg11[%get3A_574] {strides = array<i32>} : memref<512xf32, #tpu.memory_space<vmem>>, vector<16xf32>,
      %add3A_576 = arith.addf %add3A_573, %get3A_575 : vector<16xf32>
      %get3A_577 = arith.constant 416 : index
      %get3A_578 = tpu.vector_load %arg11[%get3A_577] {strides = array<i32>} : memref<512xf32, #tpu.memory_space<vmem>>, vector<16xf32>,
      %add3A_579 = arith.addf %add3A_576, %get3A_578 : vector<16xf32>
      %get3A_580 = arith.constant 448 : index
      %get3A_581 = tpu.vector_load %arg11[%get3A_580] {strides = array<i32>} : memref<512xf32, #tpu.memory_space<vmem>>, vector<16xf32>,
      %add3A_582 = arith.addf %add3A_579, %get3A_581 : vector<16xf32>
      %get3A_583 = arith.constant 480 : index
      %get3A_584 = tpu.vector_load %arg11[%get3A_583] {strides = array<i32>} : memref<512xf32, #tpu.memory_space<vmem>>, vector<16xf32>,
      %add3A_585 = arith.addf %add3A_582, %get3A_584 : vector<16xf32>
      %ne3A_586 = arith.constant 0.000000e+00 : f32
      %ne3A_587 = vector.broadcast %ne3A_586 : f32 to vector<16xf32>
      %ne3A_588 = arith.cmpf one, %add3A_585, %ne3A_587 : vector<16xf32>
      %jit3A_589 = arith.constant 1 : i32
      %jit3A_590 = arith.constant 0 : i32
      %broadcast_in_dim3A_591 = vector.broadcast %jit3A_589 : i32 to vector<16xi32>
      %broadcast_in_dim3A_592 = vector.broadcast %jit3A_590 : i32 to vector<16xi32>
      %select_n3A_593 = arith.select %ne3A_588, %broadcast_in_dim3A_591, %broadcast_in_dim3A_592 : vector<16xi1>, vector<16xi32>
      %mul3A_594 = arith.constant 32 : i32
      %mul3A_595 = arith.muli %add3A_508, %mul3A_594 : i32
      %add3A_596 = arith.constant 0 : i32
      %add3A_597 = arith.addi %mul3A_595, %add3A_596 : i32
      %swap3A_598 = arith.index_cast %add3A_597 : i32 to index
      %swap3A_599 = tpu.vector_load %arg12[%swap3A_598] {strides = array<i32>} : memref<2048xi32, #tpu.memory_space<vmem>>, vector<16xi32>,
      tpu.vector_store %arg12[%swap3A_598], %select_n3A_593 {strides = array<i32>} : memref<2048xi32, #tpu.memory_space<vmem>>, vector<16xi32>,
      %get3A_600 = arith.constant 16 : index
      %get3A_601 = tpu.vector_load %arg11[%get3A_600] {strides = array<i32>} : memref<512xf32, #tpu.memory_space<vmem>>, vector<16xf32>,
      %get3A_602 = arith.constant 48 : index
      %get3A_603 = tpu.vector_load %arg11[%get3A_602] {strides = array<i32>} : memref<512xf32, #tpu.memory_space<vmem>>, vector<16xf32>,
      %add3A_604 = arith.addf %get3A_601, %get3A_603 : vector<16xf32>
      %get3A_605 = arith.constant 80 : index
      %get3A_606 = tpu.vector_load %arg11[%get3A_605] {strides = array<i32>} : memref<512xf32, #tpu.memory_space<vmem>>, vector<16xf32>,
      %add3A_607 = arith.addf %add3A_604, %get3A_606 : vector<16xf32>
      %get3A_608 = arith.constant 112 : index
      %get3A_609 = tpu.vector_load %arg11[%get3A_608] {strides = array<i32>} : memref<512xf32, #tpu.memory_space<vmem>>, vector<16xf32>,
      %add3A_610 = arith.addf %add3A_607, %get3A_609 : vector<16xf32>
      %get3A_611 = arith.constant 144 : index
      %get3A_612 = tpu.vector_load %arg11[%get3A_611] {strides = array<i32>} : memref<512xf32, #tpu.memory_space<vmem>>, vector<16xf32>,
      %add3A_613 = arith.addf %add3A_610, %get3A_612 : vector<16xf32>
      %get3A_614 = arith.constant 176 : index
      %get3A_615 = tpu.vector_load %arg11[%get3A_614] {strides = array<i32>} : memref<512xf32, #tpu.memory_space<vmem>>, vector<16xf32>,
      %add3A_616 = arith.addf %add3A_613, %get3A_615 : vector<16xf32>
      %get3A_617 = arith.constant 208 : index
      %get3A_618 = tpu.vector_load %arg11[%get3A_617] {strides = array<i32>} : memref<512xf32, #tpu.memory_space<vmem>>, vector<16xf32>,
      %add3A_619 = arith.addf %add3A_616, %get3A_618 : vector<16xf32>
      %get3A_620 = arith.constant 240 : index
      %get3A_621 = tpu.vector_load %arg11[%get3A_620] {strides = array<i32>} : memref<512xf32, #tpu.memory_space<vmem>>, vector<16xf32>,
      %add3A_622 = arith.addf %add3A_619, %get3A_621 : vector<16xf32>
      %get3A_623 = arith.constant 272 : index
      %get3A_624 = tpu.vector_load %arg11[%get3A_623] {strides = array<i32>} : memref<512xf32, #tpu.memory_space<vmem>>, vector<16xf32>,
      %add3A_625 = arith.addf %add3A_622, %get3A_624 : vector<16xf32>
      %get3A_626 = arith.constant 304 : index
      %get3A_627 = tpu.vector_load %arg11[%get3A_626] {strides = array<i32>} : memref<512xf32, #tpu.memory_space<vmem>>, vector<16xf32>,
      %add3A_628 = arith.addf %add3A_625, %get3A_627 : vector<16xf32>
      %get3A_629 = arith.constant 336 : index
      %get3A_630 = tpu.vector_load %arg11[%get3A_629] {strides = array<i32>} : memref<512xf32, #tpu.memory_space<vmem>>, vector<16xf32>,
      %add3A_631 = arith.addf %add3A_628, %get3A_630 : vector<16xf32>
      %get3A_632 = arith.constant 368 : index
      %get3A_633 = tpu.vector_load %arg11[%get3A_632] {strides = array<i32>} : memref<512xf32, #tpu.memory_space<vmem>>, vector<16xf32>,
      %add3A_634 = arith.addf %add3A_631, %get3A_633 : vector<16xf32>
      %get3A_635 = arith.constant 400 : index
      %get3A_636 = tpu.vector_load %arg11[%get3A_635] {strides = array<i32>} : memref<512xf32, #tpu.memory_space<vmem>>, vector<16xf32>,
      %add3A_637 = arith.addf %add3A_634, %get3A_636 : vector<16xf32>
      %get3A_638 = arith.constant 432 : index
      %get3A_639 = tpu.vector_load %arg11[%get3A_638] {strides = array<i32>} : memref<512xf32, #tpu.memory_space<vmem>>, vector<16xf32>,
      %add3A_640 = arith.addf %add3A_637, %get3A_639 : vector<16xf32>
      %get3A_641 = arith.constant 464 : index
      %get3A_642 = tpu.vector_load %arg11[%get3A_641] {strides = array<i32>} : memref<512xf32, #tpu.memory_space<vmem>>, vector<16xf32>,
      %add3A_643 = arith.addf %add3A_640, %get3A_642 : vector<16xf32>
      %get3A_644 = arith.constant 496 : index
      %get3A_645 = tpu.vector_load %arg11[%get3A_644] {strides = array<i32>} : memref<512xf32, #tpu.memory_space<vmem>>, vector<16xf32>,
      %add3A_646 = arith.addf %add3A_643, %get3A_645 : vector<16xf32>
      %ne3A_647 = arith.constant 0.000000e+00 : f32
      %ne3A_648 = vector.broadcast %ne3A_647 : f32 to vector<16xf32>
      %ne3A_649 = arith.cmpf one, %add3A_646, %ne3A_648 : vector<16xf32>
      %jit3A_650 = arith.constant 1 : i32
      %jit3A_651 = arith.constant 0 : i32
      %broadcast_in_dim3A_652 = vector.broadcast %jit3A_650 : i32 to vector<16xi32>
      %broadcast_in_dim3A_653 = vector.broadcast %jit3A_651 : i32 to vector<16xi32>
      %select_n3A_654 = arith.select %ne3A_649, %broadcast_in_dim3A_652, %broadcast_in_dim3A_653 : vector<16xi1>, vector<16xi32>
      %mul3A_655 = arith.constant 32 : i32
      %mul3A_656 = arith.muli %add3A_508, %mul3A_655 : i32
      %add3A_657 = arith.constant 16 : i32
      %add3A_658 = arith.addi %mul3A_656, %add3A_657 : i32
      %swap3A_659 = arith.index_cast %add3A_658 : i32 to index
      %swap3A_660 = tpu.vector_load %arg12[%swap3A_659] {strides = array<i32>} : memref<2048xi32, #tpu.memory_space<vmem>>, vector<16xi32>,
      tpu.vector_store %arg12[%swap3A_659], %select_n3A_654 {strides = array<i32>} : memref<2048xi32, #tpu.memory_space<vmem>>, vector<16xi32>,
    }
    %scan3A_39 = arith.constant 16 : i32
    %dma_wait3A = arith.constant 0 : i32
    %dma_wait3A_40 = tpu.memref_slice %arg4[%mul3A_2, %dma_wait3A] : memref<65536x512xf32, #tpu.memory_space<hbm>> -> memref<32x512xf32, #tpu.memory_space<hbm>>
    %dma_wait3A_41 = arith.constant 0 : i32
    %dma_wait3A_42 = tpu.memref_slice %arg4[%mul3A_2, %dma_wait3A_41] : memref<65536x512xf32, #tpu.memory_space<hbm>> -> memref<32x512xf32, #tpu.memory_space<hbm>>
    tpu.wait_dma2 semaphore(%arg19 : memref<!tpu.dma_semaphore, #tpu.memory_space<semaphore_mem>>) src(%arg9 : memref<32x512xf32, #tpu.memory_space<vmem>>) dst(%dma_wait3A_42 : memref<32x512xf32, #tpu.memory_space<hbm>>)
    %dma_wait3A_43 = arith.constant 0 : i32
    %dma_wait3A_44 = tpu.memref_slice %arg4[%mul3A_2, %dma_wait3A_43] : memref<65536x512xf32, #tpu.memory_space<hbm>> -> memref<32x512xf32, #tpu.memory_space<hbm>>
    %dma_wait3A_45 = arith.constant 0 : i32
    %dma_wait3A_46 = tpu.memref_slice %arg4[%mul3A_2, %dma_wait3A_45] : memref<65536x512xf32, #tpu.memory_space<hbm>> -> memref<32x512xf32, #tpu.memory_space<hbm>>
    tpu.wait_dma2 semaphore(%arg20 : memref<!tpu.dma_semaphore, #tpu.memory_space<semaphore_mem>>) src(%arg10 : memref<32x512xf32, #tpu.memory_space<vmem>>) dst(%dma_wait3A_46 : memref<32x512xf32, #tpu.memory_space<hbm>>)
    "tpu.region"() ({
      %run_scoped3A = tpu.sem_alloc : memref<!tpu.dma_semaphore, #tpu.memory_space<semaphore_mem>>
      %dma_start3A_47 = tpu.memref_slice %arg5[%mul3A_2] : memref<65536xi32, #tpu.memory_space<hbm>> -> memref<2048xi32, #tpu.memory_space<hbm>>
      %dma_start3A_48 = tpu.memref_slice %arg5[%mul3A_2] : memref<65536xi32, #tpu.memory_space<hbm>> -> memref<2048xi32, #tpu.memory_space<hbm>>
      tpu.enqueue_dma source(%arg12 : memref<2048xi32, #tpu.memory_space<vmem>>) target(%dma_start3A_48 : memref<2048xi32, #tpu.memory_space<hbm>>) target_semaphore(%run_scoped3A : memref<!tpu.dma_semaphore, #tpu.memory_space<semaphore_mem>>)
      %dma_wait3A_49 = tpu.memref_slice %arg5[%mul3A_2] : memref<65536xi32, #tpu.memory_space<hbm>> -> memref<2048xi32, #tpu.memory_space<hbm>>
      %dma_wait3A_50 = tpu.memref_slice %arg5[%mul3A_2] : memref<65536xi32, #tpu.memory_space<hbm>> -> memref<2048xi32, #tpu.memory_space<hbm>>
      tpu.wait_dma2 semaphore(%run_scoped3A : memref<!tpu.dma_semaphore, #tpu.memory_space<semaphore_mem>>) src(%arg12 : memref<2048xi32, #tpu.memory_space<vmem>>) dst(%dma_wait3A_50 : memref<2048xi32, #tpu.memory_space<hbm>>)
      tpu.yield
    }) : () -> ()
    return
  }
}

</mosaic_0001>

<sc_bundles>
// kernel: kernel.3.cloned.1.call-start
scs
__scs_entry_jumppad:
0x0: {  	(pc) =	sbr.rel $0x88, $3  }
0x1: {  	(tag) =	ssettag $0x0;
	lr =	simm.s32 $0x1  }
0x2: {  	[smem:$0x3F9F] =	sst lr;
	_ =	strace $0xD0000000  }
0x3: {  	_ = 	snop  }
0x4: {  	_ = 	snop  }
0x5: {  	_ = 	snop  }
0x6: {  	_ = 	snop  }
0x7: {  	_ = 	snop  }
__scs_overlays_trampoline_lowered:
0x8: {  	[smem:$0x3FAE] =	sst s0  }
0x9: {  	[smem:$0x3FAF] =	sst s1  }
0xa: {  	[smem:$0x3FB0] =	sst s2  }
0xb: {  	[smem:$0x3FB1] =	sst s3  }
0xc: {  	[smem:$0x3FB2] =	sst s4  }
0xd: {  	[smem:$0x3FB3] =	sst s5  }
0xe: {  	[smem:$0x3FB4] =	sst s6  }
0xf: {  	[smem:$0x3FB5] =	sst s7  }
0x10: {  	[smem:$0x3FB6] =	sst s8  }
0x11: {  	[smem:$0x3FB7] =	sst s9;
	s0 =	simm.s32 @!p0 $0x0  }
0x12: {  	s1 =	sld [smem:$0x3F9D];
	s0 =	simm.s32 @p0 $0x1  }
0x13: {  	[smem:$0x3FB8] =	sst s0;
	s0 =	simm.s32 @!p1 $0x0  }
0x14: {  	s2 =	sld [smem:$0x3F9C];
	s0 =	simm.s32 @p1 $0x1  }
0x15: {  	[smem:$0x3FB9] =	sst s0;
	s0 =	simm.s32 @!p2 $0x0  }
0x16: {  	s3 =	sld [smem:$0x3FDB];
	s0 =	simm.s32 @p2 $0x1  }
0x17: {  	s4 =	simm.s32 $0x1BF5;
	[smem:$0x3FBB] =	sst s0  }
0x18: {  	s0 =	sld [smem:$0x3F9E];
	_ =	swait.ge [sflag:s4], $0x0  }
0x19: {  	s7 =	sld [smem:$0x3F9F]  }
0x1a: {  	s8 =	sadd.s32 $0xFFFFE003, lr  }
0x1b: {  	s9 =	sadd.s32 $0xFFFFFEF7, lr;
	s5 =	simm.s32 $0xFFFFFFFF;
	p2 =	slt.u32 s8, $0xFFFFF086  }
0x1c: {  	p1 =	slt.u32 s9, $0xF7A;
	s5 =	simm.s32 @!p2 $0x0  }
0x1d: {  	s5 =	simm.s32 @p1 $0x1;
	p0 =	seq.s32 s7, s2  }
0x1e: {  	s7 =	smul.u32 @!p0 $0xF7A, s2;
	p2 =	seq.s32 @!p0 s5, $0x0  }
0x1f: {  	s9 =	smul.u32 $0xF7A, s1;
	s8 =	simm.s32 @!p0 $0x1BF5;
	p2 =	por !p2, p0  }
0x20: {  	[sflag:s8] =	ssyncset.s32 @!p0 $0xFFFFF086;
	s6 =	sadd.s32 @!p0 s3, s7;
	s7 =	simm.s32 @!p0 $0x108  }
0x21: {  	s3 =	sadd.s32 s3, s9;
	s6 =	sadd.s32 @!p0 $0x88, s6;
	s7 =	simm.s32 @p2 $0x1082  }
0x22: {  	[simem:s7], [sflag:s8] =	dma.local @!p0 [hbm:s6], $0xF7A  }
0x23: {  	s9 =	sor.u32 $0xD0000000, s2;
	s6 =	simm.s32 $0x108;
	_ =	swait.ge @!p0 [sflag:s8], $0x0  }
0x24: {  	s3 =	sadd.s32 $0x88, s3;
	s6 =	simm.s32 @!p1 $0x1082;
	[sflag:s4] =	ssyncset.s32 $0xFFFFF086  }
0x25: {  	[simem:s6], [sflag:s4] =	dma.local [hbm:s3], $0xF7A  }
0x26: {  	[smem:$0x3F9F] =	sst s1;
	(tag) =	ssettag s2;
	_ =	strace s9  }
0x27: {  	s1 =	sld [smem:$0x3FAF]  }
0x28: {  	s2 =	sld [smem:$0x3FB0]  }
0x29: {  	s4 =	sld [smem:$0x3FB2]  }
0x2a: {  	p0 =	seq.s32 s5, $0x0;
	s5 =	sld [smem:$0x3FB3]  }
0x2b: {  	s6 =	sld [smem:$0x3FB4]  }
0x2c: {  	s7 =	sld [smem:$0x3FB5]  }
0x2d: {  	s3 =	simm.s32 $0x108;
	s8 =	sld [smem:$0x3FB6]  }
0x2e: {  	s3 =	simm.s32 @!p0 $0x1082;
	s9 =	sld [smem:$0x3FB7]  }
0x2f: {  	lr =	sadd.s32 s0, s3;
	s0 =	sld [smem:$0x3FAE]  }
0x30: {  	s3 =	sld [smem:$0x3FB1]  }
0x31: {  	[smem:$0x3FBA] =	sst s10  }
0x32: {  	s10 =	sld [smem:$0x3FB8];
	_ =	sdelay $0x3  }
0x33: {  	p0 =	seq.s32 s10, $0x1;
	s10 =	sld [smem:$0x3FBA];
	_ =	sdelay $0x3  }
0x34: {  	[smem:$0x3FBA] =	sst s10  }
0x35: {  	s10 =	sld [smem:$0x3FB9];
	_ =	sdelay $0x3  }
0x36: {  	p1 =	seq.s32 s10, $0x1;
	s10 =	sld [smem:$0x3FBA];
	_ =	sdelay $0x3  }
0x37: {  	[smem:$0x3FBA] =	sst s10  }
0x38: {  	s10 =	sld [smem:$0x3FBB]  }
0x39: {  	_ = 	snop;
	(pc) =	sbr.ind lr, $3  }
0x3a: {  	_ = 	snop  }
0x3b: {  	_ = 	snop  }
0x3c: {  	p2 =	seq.s32 s10, $0x1;
	s10 =	sld [smem:$0x3FBA]  }
0x3d: {  	_ =	shalt  }
0x3e: {  	_ =	shalt  }
0x3f: {  	_ =	shalt  }
0x40: {  	_ =	shalt  }
0x41: {  	_ =	shalt  }
0x42: {  	_ =	shalt  }
0x43: {  	_ =	shalt  }
0x44: {  	_ =	shalt  }
0x45: {  	_ =	shalt  }
0x46: {  	_ =	shalt  }
0x47: {  	_ =	shalt  }
0x48: {  	_ =	shalt  }
0x49: {  	_ =	shalt  }
0x4a: {  	_ =	shalt  }
0x4b: {  	_ =	shalt  }
0x4c: {  	_ =	shalt  }
0x4d: {  	_ =	shalt  }
0x4e: {  	_ =	shalt  }
0x4f: {  	_ =	shalt  }
0x50: {  	_ =	shalt  }
0x51: {  	_ =	shalt  }
0x52: {  	_ =	shalt  }
0x53: {  	_ =	shalt  }
0x54: {  	_ =	shalt  }
0x55: {  	_ =	shalt  }
0x56: {  	_ =	shalt  }
0x57: {  	_ =	shalt  }
0x58: {  	_ =	shalt  }
0x59: {  	_ =	shalt  }
0x5a: {  	_ =	shalt  }
0x5b: {  	_ =	shalt  }
0x5c: {  	_ =	shalt  }
0x5d: {  	_ =	shalt  }
0x5e: {  	_ =	shalt  }
0x5f: {  	_ =	shalt  }
0x60: {  	_ =	shalt  }
0x61: {  	_ =	shalt  }
0x62: {  	_ =	shalt  }
0x63: {  	_ =	shalt  }
0x64: {  	_ =	shalt  }
0x65: {  	_ =	shalt  }
0x66: {  	_ =	shalt  }
0x67: {  	_ =	shalt  }
0x68: {  	_ =	shalt  }
0x69: {  	_ =	shalt  }
0x6a: {  	_ =	shalt  }
0x6b: {  	_ =	shalt  }
0x6c: {  	_ =	shalt  }
0x6d: {  	_ =	shalt  }
0x6e: {  	_ =	shalt  }
0x6f: {  	_ =	shalt  }
0x70: {  	_ =	shalt  }
0x71: {  	_ =	shalt  }
0x72: {  	_ =	shalt  }
0x73: {  	_ =	shalt  }
0x74: {  	_ =	shalt  }
0x75: {  	_ =	shalt  }
0x76: {  	_ =	shalt  }
0x77: {  	_ =	shalt  }
0x78: {  	_ =	shalt  }
0x79: {  	_ =	shalt  }
0x7a: {  	_ =	shalt  }
0x7b: {  	_ =	shalt  }
0x7c: {  	_ =	shalt  }
0x7d: {  	_ =	shalt  }
0x7e: {  	_ =	shalt  }
0x7f: {  	_ =	shalt  }
0x80: {  	_ =	shalt  }
0x81: {  	_ =	shalt  }
0x82: {  	_ =	shalt  }
0x83: {  	_ =	shalt  }
0x84: {  	_ =	shalt  }
0x85: {  	_ =	shalt  }
0x86: {  	_ =	shalt  }
0x87: {  	_ =	shalt  }
.Lfunc_end0:
.L_simem_size_0:
called_computation_lowered:
.L_overlay_start_0:
0x88: {  	s2 =	sld [smem:$0x3FD9]  }
0x89: {  	s3 =	sld [smem:$0x3FFE];
	_ =	sdelay $0x1  }
0x8a: {  	s1 =	srdreg.scid  }
0x8b: {  	s0 =	sand.u32 $0x1, s1  }
0x8c: {  	s14 =	sshll.u32 s0, $0xA;
	s2 =	sadd.s32 s3, s2  }
0x8d: {  	s2 =	sadd.s32 s2, s14  }
0x8e: {  	[smem:$0x3FC6] =	sst s2  }
0x8f: {  	_ = 	snop  }
0x90: {  	s2 =	sld [smem:$0x3FD0];
	_ =	sdelay $0x2  }
0x91: {  	s4 =	simm.s32 $0xA;
	s5 =	simm.s32 $0x10;
	s15 =	sld [smem:$0x3FC9]  }
0x92: {  	[smem:s5], [sflag:s4] =	dma.local [hbm:s2], $0x1  }
0x93: {  	_ =	swait.eq [sflag:s4], $0x1  }
0x94: {  	[sflag:s4] =	ssyncset.done $0x0  }
0x95: {  	[sflag:s4] =	ssyncadd.s32 $0xFFFFFFFF  }
0x96: {  	s16 =	sld [smem:$0x10];
	(tm) =	ssettm $0x1  }
0x97: {  	s17 =	sld [smem:$0x3FFB];
	_ =	sdelay $0x3  }
0x98: {  	_ =	strace s17  }
0x99: {  	s4 =	sld [smem:$0x3FFC];
	_ =	sdelay $0x3  }
0x9a: {  	_ =	strace s4  }
0x9b: {  	s4 =	sld [smem:$0x3FFD];
	_ =	sdelay $0x3  }
0x9c: {  	_ =	strace s4  }
0x9d: {  	_ =	strace $0x8FFFFFFF  }
0x9e: {  	s18 =	sld [smem:$0x3FDB];
	_ =	sdelay $0x1  }
0x9f: {  	s19 =	simm.s32 $_scs_section_size  }
0xa0: {  	s6 =	simm.s32 $_size__tile_overlayer_lowered;
	s7 =	simm.s32 $_tile_overlayer_lowered  }
0xa1: {  	s22 =	simm.s32 $0x1BFF;
	s21 =	sshll.u32 s7, $0x1;
	s4 =	sadd.s32 s19, s18  }
0xa2: {  	s8 =	simm.s32 $0x0;
	s20 =	sshll.u32 s6, $0x1;
	s6 =	sadd.s32 s21, s4  }
0xa3: {  	[timem:s8], [sflag:s22] =	dma.local [hbm:s6], s20  }
0xa4: {  	_ =	swait.ge [sflag:s22], s20  }
0xa5: {  	s5 =	ssub.s32 $0x0, s20;
	[sflag:s22] =	ssyncset.done $0x0  }
0xa6: {  	[sflag:s22] =	ssyncadd.s32 s5;
	_ =	sdelay $0x1  }
0xa7: {  	s23 =	simm.s32 $0x1B8B  }
0xa8: {  	_ =	swait.ge [sflag:s23], $0x1  }
0xa9: {  	[sflag:s23] =	ssyncset.done $0x0  }
0xaa: {  	s25 =	simm.s32 $0x1B8E;
	s24 =	sld [smem:$0x3FFE];
	[sflag:s23] =	ssyncadd.s32 $0xFFFFFFFF  }
0xab: {  	s26 =	simm.s32 $execute0_lowered;
	[smem:$0x3FD2] =	sst s25  }
0xac: {  	s6 =	sshll.u32 s26, $0x1;
	_ =	strace $0x80000046;
	[dreg:$0x1] =	wrdreg $0xFFFFFFFF  }
0xad: {  	s28 =	simm.s32 $_size_execute0_lowered;
	s4 =	sadd.s32 s4, s6;
	[dreg:$0x0] =	wrdreg $0x0  }
0xae: {  	s6 =	sshll.u32 s28, $0x1;
	[dreg:$0x2] =	wrdreg s4  }
0xaf: {  	[dreg:$0x3] =	wrdreg s6  }
0xb0: {  	[dreg:$0x4] =	wrdreg $0xC0  }
0xb1: {  	_ =	task [dreg:s8], $0x5FFFF  }
0xb2: {  	[dreg:$0x1] =	wrdreg $0xFFFFFFFF  }
0xb3: {  	[dreg:$0x0] =	wrdreg $0x60  }
0xb4: {  	[dreg:$0x2] =	wrdreg s15  }
0xb5: {  	[dreg:$0x3] =	wrdreg s24  }
0xb6: {  	[dreg:$0x4] =	wrdreg s16  }
0xb7: {  	[dreg:$0x5] =	wrdreg $0x9  }
0xb8: {  	_ =	task.clear_ibuf [dreg:s8], $0x6FFFF;
	_ =	strace $0x90000046  }
0xb9: {  	s29 =	simm.s32 $0x9;
	_ =	strace $0x80000048  }
0xba: {  	_ =	swait.ge [sflag:s29], $0x1  }
0xbb: {  	[sflag:s29] =	ssyncadd.s32 $0xFFFFFFFF  }
0xbc: {  	_ =	strace $0x90000048  }
0xbd: {  	_ =	sfence  }
0xbe: {  	s30 =	sld [smem:$0x0];
	_ =	sdelay $0x2  }
0xbf: {  	s31 =	sshll.u32 s1, $0xD;
	s1 =	sshrl.u32 s1, $0x2  }
0xc0: {  	s3 =	sand.u32 $0x4000, s31;
	s1 =	sadd.s32 s1, s30  }
0xc1: {  	s0 =	sor.u32 s3, s0;
	s1 =	sshll.u32 s1, $0x11  }
0xc2: {  	s0 =	sor.u32 s1, s0  }
0xc3: {  	s0 =	sadd.s32 $0x8F2B, s0  }
0xc4: {  	[sflag:s0] =	ssyncadd.remote.s32 $0x1  }
0xc5: {  	_ =	sfence.sel $0xFFFF  }
0xc6: {  	[dreg:$0x0] =	wrdreg $0xFFFFFFFF;
	(pc) =	sbr.abs _section_cstart, $3  }
0xc7: {  	[dreg:$0x1] =	wrdreg $0xFFFFFFFF  }
0xc8: {  	_ =	task.clear_ibuf [dreg:s8], $0x2FFFF;
	_ =	strace $0x9FFFFFFF  }
0xc9: {  	(tm) =	ssettm $0x7FFFFFFF  }
tec
execute0_lowered:
.L_overlay_start_1:
0x0: {  	(tag) =	ssettag $0x1  }
0x1: {  	s1 =	rddreg [dreg:$0x0]  }
0x2: {  	s0 =	rddreg [dreg:$0x1]  }
0x3: {  	s2 =	rddreg [dreg:$0x2];
	s3 =	srdreg.scid  }
0x4: {  	s15 =	simm.s32 $0x0;
	s5 =	stileid.u32;
	s7 =	simm.s32 $0x1  }
0x5: {  	s14 =	simm.s32 $0x800;
	s22 =	simm.s32 $0x4800;
	s31 =	simm.s32 $0x8800  }
0x6: {  	s20 =	simm.s32 $0x10800;
	s21 =	simm.s32 $0xC800;
	s29 =	simm.s32 $0xF800  }
0x7: {  	s30 =	simm.s32 $0x10000;
	s10 =	simm.s32 $0x3;
	s11 =	simm.s32 $0x6  }
0x8: {  	s13 =	simm.s32 $0x4;
	s3 =	sand.u32 $0x1, s3;
	[smem:$0x7FF] =	sst s15  }
0x9: {  	s16 =	simm.s32 $0x0;
	s4 =	sshll.u32 s3, $0x4;
	_ =	strace $0x80000047  }
0xa: {  	s3 =	ssub.s32 $0x2, s3;
	s4 =	sor.u32 s5, s4;
	s5 =	sand.u32 $0x1, s5  }
0xb: {  	s25 =	sshrl.u32 s3, $0x1;
	s6 =	sshll.u32 s4, $0x8;
	p0 =	seq.s32 s4, $0x0  }
0xc: {  	p1 =	seq.s32 s5, $0x1;
	s3 =	ssub.s32 s3, s25;
	s8 =	sshrl.u32 s4, $0x1  }
0xd: {  	s5 =	sshll.u32 s4, $0xB;
	s4 =	sshll.u32 s4, $0x11;
	s0 =	sadd.s32 s6, s0  }
0xe: {  	p0 =	por !p0, !p1;
	s6 =	simm.s32 $0x1;
	s9 =	sadd.s32 s2, s4  }
0xf: {  	s28 =	smax.u32 s3, $0x1;
	s3 =	simm.s32 $0x9;
	p0 =	por !p0, !p0  }
0x10: {  	s4 =	simm.s32 $0x2;
	s26 =	sadd.s32 $0x800, s0;
	s7 =	simm.s32 @!p0 $0x0  }
0x11: {  	v4 =	vlaneseq.u32;
	vm0 =	vmmov $0xffff;
	v5 =	vimm.s32 $0x0;
	s0 =	sadd.s32 $0x2800, s0;
	[dreg:$0x6] =	wrdreg s28;
	s7 =	ssub.s32 s8, s7  }
0x12: {  	v2 =	vshrl.u32 v4, $0x3;
	v1 =	vand.u32 $0x7, v4;
	v3 =	vor.u32 $0x8, v4;
	s12 =	sadd.s32 $0x800, s9;
	[dreg:$0x4] =	wrdreg s26;
	s7 =	sshll.u32 s7, $0x9  }
0x13: {  	v4 =	vmul.u32 $0x20, v4;
	v2 =	vmul.u32 $0x8, v2;
	[dreg:$0x5] =	wrdreg s0;
	s8 =	sadd.s32 $0x100, s1;
	v0 =	vmov s7;
	s7 =	simm.s32 $0x5  }
.LBB2_1:
0x14: {  	[dreg:$0x7] =	wrdreg s16  }
0x15: {  	s0 =	rddreg [dreg:$0x4]  }
0x16: {  	[tilespmem:s15], [sflag:$0x9] =	stream.linear.gather [hbm4b:s0+s15], $0x800, $0x38;
	[tilespmem:$0x11200] =	vst v63  }
0x17: {  	_ =	swait.ge [sflag:s3], $0x800  }
0x18: {  	[sflag:s3] =	ssyncset.done $0x0  }
0x19: {  	s0 =	simm.s32 $0x0;
	[sflag:s3] =	ssyncadd.s32 $0xFFFFF800;
	s3 =	simm.s32 $0x40  }
.LBB2_2:
0x1a: {  	p0 =	sne.s32 s3, $0x1FC0;
	v6 =	vld [tilespmem:s0+$0x0];
	_ =	sdelay $0x1  }
.Ltmp0:
0x1b: {  	(pc) =	sbr.rel @p0 .LBB2_2-.Ltmp0, $3  }
0x1c: {  	_ =	sdelay $0x1  }
0x1d: {  	v6 =	vadd.s32 v0, v6  }
0x1e: {  	[tilespmem:s0+$0x0] =	vst v6;
	s0 =	sshra.s32 s3, $0x2;
	s3 =	sadd.s32 $0x40, s3  }
0x1f: {  	v6 =	vld [tilespmem:s0+$0x0];
	_ =	sdelay $0x4  }
0x20: {  	v6 =	vadd.s32 v0, v6  }
0x21: {  	[tilespmem:s0+$0x0] =	vst v6  }
0x22: {  	v6 =	vld [tilespmem:$0x0];
	_ =	sdelay $0x4  }
0x23: {  	v7 =	vshll.u32 v6, $0x2  }
0x24: {  	v6 =	vand.u32 $0x7, v6;
	v7 =	vand.u32 $0xFFFFFFE0, v7  }
0x25: {  	v6 =	vor.u32 v6, v7  }
0x26: {  	v7 =	vperm.xlane v6, v1;
	_ =	sdelay $0x1  }
0x27: {  	v7 =	vadd.s32 v2, v7;
	_ =	sdelay $0x1  }
0x28: {  	v6 =	vperm.xlane v6, v3;
	_ =	sdelay $0x1  }
0x29: {  	s0 =	simm.s32 $0x0;
	v6 =	vadd.s32 v2, v6  }
0x2a: {  	[tilespmem:s14], [sflag:$0x1] =	stream.indirect_vreg.gather [hbm4b:s1+s0], $0x80, v7, vm0, $0xb8;
	[tilespmem:$0x11200] =	vst v63  }
0x2b: {  	s3 =	simm.s32 $0x1000  }
0x2c: {  	[tilespmem:s3], [sflag:$0x1] =	stream.indirect_vreg.gather [hbm4b:s8+s0], $0x80, v7, vm0, $0xb8;
	[tilespmem:$0x11200] =	vst v63  }
0x2d: {  	s25 =	simm.s32 $0x1800  }
0x2e: {  	[tilespmem:s25], [sflag:$0x1] =	stream.indirect_vreg.gather [hbm4b:s1+s0], $0x80, v6, vm0, $0xb8;
	[tilespmem:$0x11200] =	vst v63  }
0x2f: {  	s26 =	simm.s32 $0x2000  }
0x30: {  	[tilespmem:s26], [sflag:$0x1] =	stream.indirect_vreg.gather [hbm4b:s8+s0], $0x80, v6, vm0, $0xb8;
	[tilespmem:$0x11200] =	vst v63  }
0x31: {  	v6 =	vld [tilespmem:$0x10];
	_ =	sdelay $0x4  }
0x32: {  	v7 =	vshll.u32 v6, $0x2  }
0x33: {  	v6 =	vand.u32 $0x7, v6;
	v7 =	vand.u32 $0xFFFFFFE0, v7  }
0x34: {  	v6 =	vor.u32 v6, v7  }
0x35: {  	v7 =	vperm.xlane v6, v1;
	_ =	sdelay $0x1  }
0x36: {  	v7 =	vadd.s32 v2, v7;
	_ =	sdelay $0x1  }
0x37: {  	v6 =	vperm.xlane v6, v3;
	_ =	sdelay $0x1  }
0x38: {  	s28 =	simm.s32 $0x2800;
	v6 =	vadd.s32 v2, v6  }
0x39: {  	[tilespmem:s28], [sflag:$0x1] =	stream.indirect_vreg.gather [hbm4b:s1+s0], $0x80, v7, vm0, $0xb8;
	[tilespmem:$0x11200] =	vst v63  }
0x3a: {  	s15 =	simm.s32 $0x3000  }
0x3b: {  	[tilespmem:s15], [sflag:$0x1] =	stream.indirect_vreg.gather [hbm4b:s8+s0], $0x80, v7, vm0, $0xb8;
	[tilespmem:$0x11200] =	vst v63  }
0x3c: {  	s16 =	simm.s32 $0x3800  }
0x3d: {  	[tilespmem:s16], [sflag:$0x1] =	stream.indirect_vreg.gather [hbm4b:s1+s0], $0x80, v6, vm0, $0xb8;
	[tilespmem:$0x11200] =	vst v63  }
0x3e: {  	s17 =	simm.s32 $0x4000  }
0x3f: {  	[tilespmem:s17], [sflag:$0x1] =	stream.indirect_vreg.gather [hbm4b:s8+s0], $0x80, v6, vm0, $0xb8;
	[tilespmem:$0x11200] =	vst v63  }
0x40: {  	v6 =	vld [tilespmem:$0x20];
	_ =	sdelay $0x4  }
0x41: {  	v7 =	vshll.u32 v6, $0x2  }
0x42: {  	v6 =	vand.u32 $0x7, v6;
	v7 =	vand.u32 $0xFFFFFFE0, v7  }
0x43: {  	v6 =	vor.u32 v6, v7  }
0x44: {  	v7 =	vperm.xlane v6, v1;
	_ =	sdelay $0x1  }
0x45: {  	v7 =	vadd.s32 v2, v7;
	_ =	sdelay $0x1  }
0x46: {  	v6 =	vperm.xlane v6, v3;
	_ =	sdelay $0x1  }
0x47: {  	v6 =	vadd.s32 v2, v6  }
0x48: {  	[tilespmem:s22], [sflag:$0x2] =	stream.indirect_vreg.gather [hbm4b:s1+s0], $0x80, v7, vm0, $0xb8;
	[tilespmem:$0x11200] =	vst v63  }
0x49: {  	s18 =	simm.s32 $0x5000  }
0x4a: {  	[tilespmem:s18], [sflag:$0x2] =	stream.indirect_vreg.gather [hbm4b:s8+s0], $0x80, v7, vm0, $0xb8;
	[tilespmem:$0x11200] =	vst v63  }
0x4b: {  	s19 =	simm.s32 $0x5800  }
0x4c: {  	[tilespmem:s19], [sflag:$0x2] =	stream.indirect_vreg.gather [hbm4b:s1+s0], $0x80, v6, vm0, $0xb8;
	[tilespmem:$0x11200] =	vst v63  }
0x4d: {  	s23 =	simm.s32 $0x6000  }
0x4e: {  	[tilespmem:s23], [sflag:$0x2] =	stream.indirect_vreg.gather [hbm4b:s8+s0], $0x80, v6, vm0, $0xb8;
	[tilespmem:$0x11200] =	vst v63  }
0x4f: {  	v6 =	vld [tilespmem:$0x30];
	_ =	sdelay $0x4  }
0x50: {  	v7 =	vshll.u32 v6, $0x2  }
0x51: {  	v6 =	vand.u32 $0x7, v6;
	v7 =	vand.u32 $0xFFFFFFE0, v7  }
0x52: {  	v6 =	vor.u32 v6, v7  }
0x53: {  	v7 =	vperm.xlane v6, v1;
	_ =	sdelay $0x1  }
0x54: {  	v7 =	vadd.s32 v2, v7;
	_ =	sdelay $0x1  }
0x55: {  	v6 =	vperm.xlane v6, v3;
	_ =	sdelay $0x1  }
0x56: {  	s24 =	simm.s32 $0x6800;
	v6 =	vadd.s32 v2, v6  }
0x57: {  	[tilespmem:s24], [sflag:$0x2] =	stream.indirect_vreg.gather [hbm4b:s1+s0], $0x80, v7, vm0, $0xb8;
	[tilespmem:$0x11200] =	vst v63  }
0x58: {  	s25 =	simm.s32 $0x7000  }
0x59: {  	[tilespmem:s25], [sflag:$0x2] =	stream.indirect_vreg.gather [hbm4b:s8+s0], $0x80, v7, vm0, $0xb8;
	[tilespmem:$0x11200] =	vst v63  }
0x5a: {  	s26 =	simm.s32 $0x7800  }
0x5b: {  	[tilespmem:s26], [sflag:$0x2] =	stream.indirect_vreg.gather [hbm4b:s1+s0], $0x80, v6, vm0, $0xb8;
	[tilespmem:$0x11200] =	vst v63  }
0x5c: {  	s3 =	simm.s32 $0x0;
	s28 =	simm.s32 $0x8000  }
0x5d: {  	[tilespmem:s28], [sflag:$0x2] =	stream.indirect_vreg.gather [hbm4b:s8+s0], $0x80, v6, vm0, $0xb8;
	[tilespmem:$0x11200] =	vst v63  }
.LBB2_4:
0x5e: {  	p0 =	seq.s32 s3, $0x0  }
0x5f: {  	s15 =	sshll.u32 s3, $0x2;
	s17 =	simm.s32 @!p0 $0x7  }
0x60: {  	s16 =	sor.u32 $0x2, s15;
	_ =	swait.ge @!p0 [sflag:s17], $0x4000  }
0x61: {  	s16 =	sshll.u32 s16, $0x5;
	[sflag:s17] =	ssyncset.done @!p0 $0x0  }
0x62: {  	s25 =	sand.u32 $0x3FFFFFE0, s16;
	[sflag:s17] =	ssyncadd.s32 @!p0 $0xFFFFC000  }
0x63: {  	v6 =	vld [tilespmem:s25+$0x0];
	_ =	sdelay $0x4  }
0x64: {  	v7 =	vshll.u32 v6, $0x2  }
0x65: {  	v6 =	vand.u32 $0x7, v6;
	v7 =	vand.u32 $0xFFFFFFE0, v7  }
0x66: {  	v6 =	vor.u32 v6, v7  }
0x67: {  	v7 =	vperm.xlane v6, v1;
	_ =	sdelay $0x1  }
0x68: {  	v7 =	vadd.s32 v2, v7;
	_ =	sdelay $0x1  }
0x69: {  	v6 =	vperm.xlane v6, v3;
	_ =	sdelay $0x1  }
0x6a: {  	v6 =	vadd.s32 v2, v6  }
0x6b: {  	[tilespmem:s31], [sflag:$0x3] =	stream.indirect_vreg.gather [hbm4b:s1+s0], $0x80, v7, vm0, $0xb8;
	[tilespmem:$0x11200] =	vst v63  }
0x6c: {  	s18 =	simm.s32 $0x9000  }
0x6d: {  	[tilespmem:s18], [sflag:$0x3] =	stream.indirect_vreg.gather [hbm4b:s8+s0], $0x80, v7, vm0, $0xb8;
	[tilespmem:$0x11200] =	vst v63  }
0x6e: {  	s26 =	simm.s32 $0x9800  }
0x6f: {  	[tilespmem:s26], [sflag:$0x3] =	stream.indirect_vreg.gather [hbm4b:s1+s0], $0x80, v6, vm0, $0xb8;
	[tilespmem:$0x11200] =	vst v63  }
0x70: {  	s28 =	simm.s32 $0xA000  }
0x71: {  	[tilespmem:s28], [sflag:$0x3] =	stream.indirect_vreg.gather [hbm4b:s8+s0], $0x80, v6, vm0, $0xb8;
	[tilespmem:$0x11200] =	vst v63  }
0x72: {  	v6 =	vld [tilespmem:s25+$0x10];
	_ =	sdelay $0x4  }
0x73: {  	v7 =	vshll.u32 v6, $0x2  }
0x74: {  	v6 =	vand.u32 $0x7, v6;
	v7 =	vand.u32 $0xFFFFFFE0, v7  }
0x75: {  	v6 =	vor.u32 v6, v7  }
0x76: {  	v7 =	vperm.xlane v6, v1;
	_ =	sdelay $0x1  }
0x77: {  	v7 =	vadd.s32 v2, v7;
	_ =	sdelay $0x1  }
0x78: {  	v6 =	vperm.xlane v6, v3;
	_ =	sdelay $0x1  }
0x79: {  	s18 =	simm.s32 $0xA800;
	v6 =	vadd.s32 v2, v6  }
0x7a: {  	[tilespmem:s18], [sflag:$0x3] =	stream.indirect_vreg.gather [hbm4b:s1+s0], $0x80, v7, vm0, $0xb8;
	[tilespmem:$0x11200] =	vst v63  }
0x7b: {  	s19 =	simm.s32 $0xB000  }
0x7c: {  	[tilespmem:s19], [sflag:$0x3] =	stream.indirect_vreg.gather [hbm4b:s8+s0], $0x80, v7, vm0, $0xb8;
	[tilespmem:$0x11200] =	vst v63  }
0x7d: {  	s23 =	simm.s32 $0xB800  }
0x7e: {  	[tilespmem:s23], [sflag:$0x3] =	stream.indirect_vreg.gather [hbm4b:s1+s0], $0x80, v6, vm0, $0xb8;
	[tilespmem:$0x11200] =	vst v63  }
0x7f: {  	s24 =	simm.s32 $0xC000  }
0x80: {  	[tilespmem:s24], [sflag:$0x3] =	stream.indirect_vreg.gather [hbm4b:s8+s0], $0x80, v6, vm0, $0xb8;
	[tilespmem:$0x11200] =	vst v63  }
0x81: {  	s17 =	simm.s32 $0x0;
	s26 =	sand.u32 $0x3000, s0;
	_ =	swait.ge [sflag:s6], $0x4000  }
0x82: {  	s28 =	sand.u32 $0x380, s0;
	s19 =	sshll.u32 s3, $0xD;
	[sflag:s6] =	ssyncset.done $0x0  }
0x83: {  	s18 =	sor.u32 s28, s26;
	s25 =	sadd.s32 s19, s9;
	[sflag:s6] =	ssyncadd.s32 $0xFFFFC000  }
0x84: {  	[hbm4b:s25+s0] =	stream.linear.scatter [tilespmem:s14], [sflag:$0x5], $0x4000, $0x38;
	[tilespmem:$0x11200] =	vst v63  }
0x85: {  	s23 =	simm.s32 $0x1;
	s24 =	simm.s32 $0x0;
	s25 =	simm.s32 $0x0  }
.LBB2_5:
0x86: {  	p1 =	sne.s32 s23, $0x1F;
	v6 =	vld [tilespmem:s18+$0x810]  }
0x87: {  	v7 =	vld [tilespmem:s18+$0x800];
	_ =	sdelay $0x1  }
0x88: {  	v8 =	vld [tilespmem:s18+$0x820];
	_ =	sdelay $0x1  }
0x89: {  	v9 =	vld [tilespmem:s18+$0x830]  }
0x8a: {  	v6 =	vadd.f32 v6, v7  }
0x8b: {  	v7 =	vld [tilespmem:s18+$0x840]  }
0x8c: {  	v6 =	vadd.f32 v8, v6  }
0x8d: {  	v8 =	vld [tilespmem:s18+$0x850]  }
0x8e: {  	v6 =	vadd.f32 v9, v6  }
0x8f: {  	v9 =	vld [tilespmem:s18+$0x860]  }
0x90: {  	v6 =	vadd.f32 v7, v6  }
0x91: {  	v7 =	vld [tilespmem:s18+$0x870]  }
0x92: {  	v6 =	vadd.f32 v8, v6  }
0x93: {  	v8 =	vld [tilespmem:s18+$0xC00]  }
0x94: {  	v6 =	vadd.f32 v9, v6  }
0x95: {  	v9 =	vld [tilespmem:s18+$0xC10]  }
0x96: {  	v6 =	vadd.f32 v7, v6  }
0x97: {  	v7 =	vld [tilespmem:s18+$0xC20]  }
0x98: {  	v6 =	vadd.f32 v8, v6  }
0x99: {  	v8 =	vld [tilespmem:s18+$0xC30]  }
0x9a: {  	v6 =	vadd.f32 v9, v6  }
0x9b: {  	v9 =	vld [tilespmem:s18+$0xC40]  }
0x9c: {  	v6 =	vadd.f32 v7, v6  }
0x9d: {  	v7 =	vld [tilespmem:s18+$0xC50]  }
0x9e: {  	v6 =	vadd.f32 v8, v6  }
0x9f: {  	v8 =	vld [tilespmem:s18+$0xC60]  }
0xa0: {  	v6 =	vadd.f32 v9, v6  }
0xa1: {  	v9 =	vld [tilespmem:s18+$0xC70]  }
0xa2: {  	v6 =	vadd.f32 v7, v6  }
0xa3: {  	v7 =	vld [tilespmem:s18+$0x1000]  }
0xa4: {  	v6 =	vadd.f32 v8, v6  }
0xa5: {  	v8 =	vld [tilespmem:s18+$0x1010]  }
0xa6: {  	v6 =	vadd.f32 v9, v6  }
0xa7: {  	v9 =	vld [tilespmem:s18+$0x1020]  }
0xa8: {  	v6 =	vadd.f32 v7, v6  }
0xa9: {  	v7 =	vld [tilespmem:s18+$0x1030]  }
0xaa: {  	v6 =	vadd.f32 v8, v6  }
0xab: {  	v8 =	vld [tilespmem:s18+$0x1040]  }
0xac: {  	v6 =	vadd.f32 v9, v6  }
0xad: {  	v9 =	vld [tilespmem:s18+$0x1050]  }
0xae: {  	v6 =	vadd.f32 v7, v6  }
0xaf: {  	v7 =	vld [tilespmem:s18+$0x1060]  }
0xb0: {  	v6 =	vadd.f32 v8, v6  }
0xb1: {  	v8 =	vld [tilespmem:s18+$0x1070]  }
0xb2: {  	v6 =	vadd.f32 v9, v6  }
0xb3: {  	v9 =	vld [tilespmem:s18+$0x1400]  }
0xb4: {  	v6 =	vadd.f32 v7, v6  }
0xb5: {  	v7 =	vld [tilespmem:s18+$0x1410]  }
0xb6: {  	v6 =	vadd.f32 v8, v6  }
0xb7: {  	v8 =	vld [tilespmem:s18+$0x1420]  }
0xb8: {  	v6 =	vadd.f32 v9, v6  }
0xb9: {  	v9 =	vld [tilespmem:s18+$0x1430]  }
0xba: {  	v6 =	vadd.f32 v7, v6  }
0xbb: {  	v7 =	vld [tilespmem:s18+$0x1440]  }
0xbc: {  	v6 =	vadd.f32 v8, v6  }
0xbd: {  	v8 =	vld [tilespmem:s18+$0x1450]  }
0xbe: {  	v6 =	vadd.f32 v9, v6  }
0xbf: {  	v9 =	vld [tilespmem:s18+$0x1460]  }
0xc0: {  	v6 =	vadd.f32 v7, v6  }
0xc1: {  	v7 =	vld [tilespmem:s18+$0x1470]  }
0xc2: {  	v6 =	vadd.f32 v8, v6  }
0xc3: {  	v8 =	vor.u32 s17, v4;
	s17 =	smov.u32 s23  }
.Ltmp1:
0xc4: {  	v6 =	vadd.f32 v9, v6;
	(pc) =	sbr.rel @p1 .LBB2_5-.Ltmp1, $4  }
0xc5: {  	_ = 	snop  }
0xc6: {  	s24 =	sadd.s32 $0x80, s24;
	s25 =	sadd.s32 $0x200, s25;
	v6 =	vadd.f32 v7, v6  }
0xc7: {  	s26 =	sand.u32 $0x380, s24;
	s18 =	sand.u32 $0x3000, s25  }
0xc8: {  	s18 =	sor.u32 s26, s18;
	s23 =	sadd.s32 $0x1, s23;
	[tilespmem:v8+s20+$0x0] =	vst.idx.msk $0xffff, v6  }
0xc9: {  	v6 =	vld [tilespmem:s18+$0x810]  }
0xca: {  	v7 =	vld [tilespmem:s18+$0x800];
	_ =	sdelay $0x1  }
0xcb: {  	v8 =	vld [tilespmem:s18+$0x820];
	_ =	sdelay $0x1  }
0xcc: {  	v9 =	vld [tilespmem:s18+$0x830]  }
0xcd: {  	v6 =	vadd.f32 v6, v7  }
0xce: {  	v7 =	vld [tilespmem:s18+$0x840]  }
0xcf: {  	v6 =	vadd.f32 v8, v6  }
0xd0: {  	v26 =	vld [tilespmem:s18+$0x850]  }
0xd1: {  	v6 =	vadd.f32 v9, v6  }
0xd2: {  	v27 =	vld [tilespmem:s18+$0x860]  }
0xd3: {  	v6 =	vadd.f32 v7, v6  }
0xd4: {  	v7 =	vld [tilespmem:s18+$0x870]  }
0xd5: {  	v6 =	vadd.f32 v26, v6  }
0xd6: {  	v28 =	vld [tilespmem:s18+$0xC00]  }
0xd7: {  	v6 =	vadd.f32 v27, v6  }
0xd8: {  	v29 =	vld [tilespmem:s18+$0xC10]  }
0xd9: {  	v6 =	vadd.f32 v7, v6  }
0xda: {  	v7 =	vld [tilespmem:s18+$0xC20]  }
0xdb: {  	v6 =	vadd.f32 v28, v6  }
0xdc: {  	v30 =	vld [tilespmem:s18+$0xC30]  }
0xdd: {  	v6 =	vadd.f32 v29, v6  }
0xde: {  	v31 =	vld [tilespmem:s18+$0xC40]  }
0xdf: {  	v6 =	vadd.f32 v7, v6  }
0xe0: {  	v7 =	vld [tilespmem:s18+$0xC50]  }
0xe1: {  	v6 =	vadd.f32 v30, v6  }
0xe2: {  	v32 =	vld [tilespmem:s18+$0xC60]  }
0xe3: {  	v6 =	vadd.f32 v31, v6  }
0xe4: {  	v33 =	vld [tilespmem:s18+$0xC70]  }
0xe5: {  	v6 =	vadd.f32 v7, v6  }
0xe6: {  	v7 =	vld [tilespmem:s18+$0x1000]  }
0xe7: {  	v6 =	vadd.f32 v32, v6  }
0xe8: {  	v34 =	vld [tilespmem:s18+$0x1010]  }
0xe9: {  	v6 =	vadd.f32 v33, v6  }
0xea: {  	v35 =	vld [tilespmem:s18+$0x1020]  }
0xeb: {  	v6 =	vadd.f32 v7, v6  }
0xec: {  	v7 =	vld [tilespmem:s18+$0x1030]  }
0xed: {  	v6 =	vadd.f32 v34, v6  }
0xee: {  	v36 =	vld [tilespmem:s18+$0x1040]  }
0xef: {  	v6 =	vadd.f32 v35, v6  }
0xf0: {  	v37 =	vld [tilespmem:s18+$0x1050]  }
0xf1: {  	v6 =	vadd.f32 v7, v6  }
0xf2: {  	v7 =	vld [tilespmem:s18+$0x1060]  }
0xf3: {  	v6 =	vadd.f32 v36, v6  }
0xf4: {  	v38 =	vld [tilespmem:s18+$0x1070]  }
0xf5: {  	v6 =	vadd.f32 v37, v6  }
0xf6: {  	v39 =	vld [tilespmem:s18+$0x1400]  }
0xf7: {  	v6 =	vadd.f32 v7, v6  }
0xf8: {  	v7 =	vld [tilespmem:s18+$0x1410]  }
0xf9: {  	v6 =	vadd.f32 v38, v6  }
0xfa: {  	v40 =	vld [tilespmem:s18+$0x1420]  }
0xfb: {  	v6 =	vadd.f32 v39, v6  }
0xfc: {  	v41 =	vld [tilespmem:s18+$0x1430]  }
0xfd: {  	v6 =	vadd.f32 v7, v6  }
0xfe: {  	v7 =	vld [tilespmem:s18+$0x1440]  }
0xff: {  	v6 =	vadd.f32 v40, v6  }
0x100: {  	v42 =	vld [tilespmem:s18+$0x1450]  }
0x101: {  	v6 =	vadd.f32 v41, v6  }
0x102: {  	v43 =	vld [tilespmem:s18+$0x1460]  }
0x103: {  	v6 =	vadd.f32 v7, v6  }
0x104: {  	v7 =	vld [tilespmem:s18+$0x1470]  }
0x105: {  	v6 =	vadd.f32 v42, v6  }
0x106: {  	v44 =	vor.u32 s17, v4  }
0x107: {  	v6 =	vadd.f32 v43, v6;
	_ =	sdelay $0x1  }
0x108: {  	v6 =	vadd.f32 v7, v6;
	_ =	sdelay $0x1  }
0x109: {  	[tilespmem:v44+s20+$0x0] =	vst.idx.msk $0xffff, v6  }
0x10a: {  	v6 =	vld [tilespmem:$0x10800]  }
0x10b: {  	v7 =	vld [tilespmem:$0x10820];
	_ =	sdelay $0x1  }
0x10c: {  	v8 =	vld [tilespmem:$0x10840];
	_ =	sdelay $0x1  }
0x10d: {  	v45 =	vld [tilespmem:$0x10860]  }
0x10e: {  	v6 =	vadd.f32 v7, v6  }
0x10f: {  	v7 =	vld [tilespmem:$0x10880]  }
0x110: {  	v6 =	vadd.f32 v8, v6  }
0x111: {  	v46 =	vld [tilespmem:$0x108A0]  }
0x112: {  	v6 =	vadd.f32 v45, v6  }
0x113: {  	v47 =	vld [tilespmem:$0x108C0]  }
0x114: {  	v6 =	vadd.f32 v7, v6  }
0x115: {  	v7 =	vld [tilespmem:$0x108E0]  }
0x116: {  	v6 =	vadd.f32 v46, v6  }
0x117: {  	v48 =	vld [tilespmem:$0x10900]  }
0x118: {  	v6 =	vadd.f32 v47, v6  }
0x119: {  	v49 =	vld [tilespmem:$0x10920]  }
0x11a: {  	v6 =	vadd.f32 v7, v6  }
0x11b: {  	v7 =	vld [tilespmem:$0x10940]  }
0x11c: {  	v6 =	vadd.f32 v48, v6  }
0x11d: {  	v50 =	vld [tilespmem:$0x10960]  }
0x11e: {  	v6 =	vadd.f32 v49, v6  }
0x11f: {  	v51 =	vld [tilespmem:$0x10980]  }
0x120: {  	v6 =	vadd.f32 v7, v6  }
0x121: {  	v7 =	vld [tilespmem:$0x109A0]  }
0x122: {  	v6 =	vadd.f32 v50, v6  }
0x123: {  	v52 =	vld [tilespmem:$0x109C0]  }
0x124: {  	v6 =	vadd.f32 v51, v6  }
0x125: {  	v53 =	vld [tilespmem:$0x109E0]  }
0x126: {  	v6 =	vadd.f32 v7, v6;
	_ =	sdelay $0x1  }
0x127: {  	v6 =	vadd.f32 v52, v6;
	_ =	sdelay $0x1  }
0x128: {  	v6 =	vadd.f32 v53, v6;
	_ =	sdelay $0x1  }
0x129: {  	vm1 =	vlt.f32 v6, $0.0e+00;
	vm2 =	vgt.f32 v6, $0.0e+00  }
0x12a: {  	s17 =	sshll.u32 s3, $0x9;
	vm1 =	vmor vm2, vm1  }
0x12b: {  	s18 =	sshrl.u32 s17, $0x2;
	v6 =	vsel vm1, $0x1, v5  }
0x12c: {  	[tilespmem:s18+$0x10A00] =	vst v6  }
0x12d: {  	v6 =	vld [tilespmem:$0x10810]  }
0x12e: {  	v7 =	vld [tilespmem:$0x10830];
	_ =	sdelay $0x1  }
0x12f: {  	v54 =	vld [tilespmem:$0x10850];
	_ =	sdelay $0x1  }
0x130: {  	v55 =	vld [tilespmem:$0x10870]  }
0x131: {  	v6 =	vadd.f32 v7, v6  }
0x132: {  	v7 =	vld [tilespmem:$0x10890]  }
0x133: {  	v6 =	vadd.f32 v54, v6  }
0x134: {  	v56 =	vld [tilespmem:$0x108B0]  }
0x135: {  	v6 =	vadd.f32 v55, v6  }
0x136: {  	v57 =	vld [tilespmem:$0x108D0]  }
0x137: {  	v6 =	vadd.f32 v7, v6  }
0x138: {  	v7 =	vld [tilespmem:$0x108F0]  }
0x139: {  	v6 =	vadd.f32 v56, v6  }
0x13a: {  	v58 =	vld [tilespmem:$0x10910]  }
0x13b: {  	v6 =	vadd.f32 v57, v6  }
0x13c: {  	v59 =	vld [tilespmem:$0x10930]  }
0x13d: {  	v6 =	vadd.f32 v7, v6  }
0x13e: {  	v7 =	vld [tilespmem:$0x10950]  }
0x13f: {  	v6 =	vadd.f32 v58, v6  }
0x140: {  	v60 =	vld [tilespmem:$0x10970]  }
0x141: {  	v6 =	vadd.f32 v59, v6  }
0x142: {  	v61 =	vld [tilespmem:$0x10990]  }
0x143: {  	v6 =	vadd.f32 v7, v6  }
0x144: {  	v7 =	vld [tilespmem:$0x109B0]  }
0x145: {  	v6 =	vadd.f32 v60, v6  }
0x146: {  	v62 =	vld [tilespmem:$0x109D0]  }
0x147: {  	v6 =	vadd.f32 v61, v6  }
0x148: {  	v63 =	vld [tilespmem:$0x109F0]  }
0x149: {  	v6 =	vadd.f32 v7, v6;
	_ =	sdelay $0x1  }
0x14a: {  	v6 =	vadd.f32 v62, v6;
	_ =	sdelay $0x1  }
0x14b: {  	v6 =	vadd.f32 v63, v6;
	_ =	sdelay $0x1  }
0x14c: {  	vm1 =	vlt.f32 v6, $0.0e+00;
	vm2 =	vgt.f32 v6, $0.0e+00  }
0x14d: {  	vm1 =	vmor vm2, vm1  }
0x14e: {  	v6 =	vsel vm1, $0x1, v5  }
0x14f: {  	s23 =	simm.s32 @!p0 $0x8;
	[tilespmem:s18+$0x10A10] =	vst v6  }
0x150: {  	s15 =	sor.u32 $0x3, s15;
	_ =	swait.ge @!p0 [sflag:s23], $0x4000  }
0x151: {  	s15 =	sshll.u32 s15, $0x5;
	[sflag:s23] =	ssyncset.done @!p0 $0x0  }
0x152: {  	s24 =	sand.u32 $0x3FFFFFE0, s15;
	[sflag:s23] =	ssyncadd.s32 @!p0 $0xFFFFC000  }
0x153: {  	v6 =	vld [tilespmem:s24+$0x0];
	_ =	sdelay $0x4  }
0x154: {  	v7 =	vshll.u32 v6, $0x2  }
0x155: {  	v6 =	vand.u32 $0x7, v6;
	v7 =	vand.u32 $0xFFFFFFE0, v7  }
0x156: {  	v6 =	vor.u32 v6, v7  }
0x157: {  	v7 =	vperm.xlane v6, v1;
	_ =	sdelay $0x1  }
0x158: {  	v7 =	vadd.s32 v2, v7;
	_ =	sdelay $0x1  }
0x159: {  	v6 =	vperm.xlane v6, v3;
	_ =	sdelay $0x1  }
0x15a: {  	s23 =	simm.s32 $0x0;
	v6 =	vadd.s32 v2, v6  }
0x15b: {  	[tilespmem:s21], [sflag:$0x4] =	stream.indirect_vreg.gather [hbm4b:s1+s23], $0x80, v7, vm0, $0xb8;
	[tilespmem:$0x11200] =	vst v63  }
0x15c: {  	s25 =	simm.s32 $0xD000  }
0x15d: {  	[tilespmem:s25], [sflag:$0x4] =	stream.indirect_vreg.gather [hbm4b:s8+s23], $0x80, v7, vm0, $0xb8;
	[tilespmem:$0x11200] =	vst v63  }
0x15e: {  	s28 =	simm.s32 $0xD800  }
0x15f: {  	[tilespmem:s28], [sflag:$0x4] =	stream.indirect_vreg.gather [hbm4b:s1+s23], $0x80, v6, vm0, $0xb8;
	[tilespmem:$0x11200] =	vst v63  }
0x160: {  	s26 =	simm.s32 $0xE000  }
0x161: {  	[tilespmem:s26], [sflag:$0x4] =	stream.indirect_vreg.gather [hbm4b:s8+s23], $0x80, v6, vm0, $0xb8;
	[tilespmem:$0x11200] =	vst v63  }
0x162: {  	v6 =	vld [tilespmem:s24+$0x10];
	_ =	sdelay $0x4  }
0x163: {  	v7 =	vshll.u32 v6, $0x2  }
0x164: {  	v6 =	vand.u32 $0x7, v6;
	v7 =	vand.u32 $0xFFFFFFE0, v7  }
0x165: {  	v6 =	vor.u32 v6, v7  }
0x166: {  	v7 =	vperm.xlane v6, v1;
	_ =	sdelay $0x1  }
0x167: {  	v7 =	vadd.s32 v2, v7;
	_ =	sdelay $0x1  }
0x168: {  	v6 =	vperm.xlane v6, v3;
	_ =	sdelay $0x1  }
0x169: {  	s28 =	simm.s32 $0xE800;
	v6 =	vadd.s32 v2, v6  }
0x16a: {  	[tilespmem:s28], [sflag:$0x4] =	stream.indirect_vreg.gather [hbm4b:s1+s23], $0x80, v7, vm0, $0xb8;
	[tilespmem:$0x11200] =	vst v63  }
0x16b: {  	s25 =	simm.s32 $0xF000  }
0x16c: {  	[tilespmem:s25], [sflag:$0x4] =	stream.indirect_vreg.gather [hbm4b:s8+s23], $0x80, v7, vm0, $0xb8;
	[tilespmem:$0x11200] =	vst v63  }
0x16d: {  	_ = 	snop  }
0x16e: {  	[tilespmem:s29], [sflag:$0x4] =	stream.indirect_vreg.gather [hbm4b:s1+s23], $0x80, v6, vm0, $0xb8;
	[tilespmem:$0x11200] =	vst v63  }
0x16f: {  	_ = 	snop  }
0x170: {  	[tilespmem:s30], [sflag:$0x4] =	stream.indirect_vreg.gather [hbm4b:s8+s23], $0x80, v6, vm0, $0xb8;
	[tilespmem:$0x11200] =	vst v63  }
0x171: {  	_ =	swait.ge [sflag:s4], $0x4000  }
0x172: {  	s19 =	sadd.s32 s12, s19;
	s26 =	sand.u32 $0x3000, s23;
	[sflag:s4] =	ssyncset.done $0x0  }
0x173: {  	s24 =	simm.s32 $0x1;
	s28 =	sand.u32 $0x380, s23;
	[sflag:s4] =	ssyncadd.s32 $0xFFFFC000  }
0x174: {  	[hbm4b:s19+s23] =	stream.linear.scatter [tilespmem:s22], [sflag:$0x6], $0x4000, $0x38;
	[tilespmem:$0x11200] =	vst v63  }
0x175: {  	s25 =	simm.s32 $0x0;
	s19 =	sor.u32 s28, s26;
	s26 =	simm.s32 $0x0  }
.LBB2_7:
0x176: {  	p0 =	sne.s32 s24, $0x1F;
	v6 =	vld [tilespmem:s19+$0x4810]  }
0x177: {  	v7 =	vld [tilespmem:s19+$0x4800];
	_ =	sdelay $0x1  }
0x178: {  	v8 =	vld [tilespmem:s19+$0x4820];
	_ =	sdelay $0x1  }
0x179: {  	v9 =	vld [tilespmem:s19+$0x4830]  }
0x17a: {  	v6 =	vadd.f32 v6, v7  }
0x17b: {  	v7 =	vld [tilespmem:s19+$0x4840]  }
0x17c: {  	v6 =	vadd.f32 v8, v6  }
0x17d: {  	v8 =	vld [tilespmem:s19+$0x4850]  }
0x17e: {  	v6 =	vadd.f32 v9, v6  }
0x17f: {  	v9 =	vld [tilespmem:s19+$0x4860]  }
0x180: {  	v6 =	vadd.f32 v7, v6  }
0x181: {  	v7 =	vld [tilespmem:s19+$0x4870]  }
0x182: {  	v6 =	vadd.f32 v8, v6  }
0x183: {  	v8 =	vld [tilespmem:s19+$0x4C00]  }
0x184: {  	v6 =	vadd.f32 v9, v6  }
0x185: {  	v9 =	vld [tilespmem:s19+$0x4C10]  }
0x186: {  	v6 =	vadd.f32 v7, v6  }
0x187: {  	v7 =	vld [tilespmem:s19+$0x4C20]  }
0x188: {  	v6 =	vadd.f32 v8, v6  }
0x189: {  	v8 =	vld [tilespmem:s19+$0x4C30]  }
0x18a: {  	v6 =	vadd.f32 v9, v6  }
0x18b: {  	v9 =	vld [tilespmem:s19+$0x4C40]  }
0x18c: {  	v6 =	vadd.f32 v7, v6  }
0x18d: {  	v7 =	vld [tilespmem:s19+$0x4C50]  }
0x18e: {  	v6 =	vadd.f32 v8, v6  }
0x18f: {  	v8 =	vld [tilespmem:s19+$0x4C60]  }
0x190: {  	v6 =	vadd.f32 v9, v6  }
0x191: {  	v9 =	vld [tilespmem:s19+$0x4C70]  }
0x192: {  	v6 =	vadd.f32 v7, v6  }
0x193: {  	v7 =	vld [tilespmem:s19+$0x5000]  }
0x194: {  	v6 =	vadd.f32 v8, v6  }
0x195: {  	v8 =	vld [tilespmem:s19+$0x5010]  }
0x196: {  	v6 =	vadd.f32 v9, v6  }
0x197: {  	v9 =	vld [tilespmem:s19+$0x5020]  }
0x198: {  	v6 =	vadd.f32 v7, v6  }
0x199: {  	v7 =	vld [tilespmem:s19+$0x5030]  }
0x19a: {  	v6 =	vadd.f32 v8, v6  }
0x19b: {  	v8 =	vld [tilespmem:s19+$0x5040]  }
0x19c: {  	v6 =	vadd.f32 v9, v6  }
0x19d: {  	v9 =	vld [tilespmem:s19+$0x5050]  }
0x19e: {  	v6 =	vadd.f32 v7, v6  }
0x19f: {  	v7 =	vld [tilespmem:s19+$0x5060]  }
0x1a0: {  	v6 =	vadd.f32 v8, v6  }
0x1a1: {  	v8 =	vld [tilespmem:s19+$0x5070]  }
0x1a2: {  	v6 =	vadd.f32 v9, v6  }
0x1a3: {  	v9 =	vld [tilespmem:s19+$0x5400]  }
0x1a4: {  	v6 =	vadd.f32 v7, v6  }
0x1a5: {  	v7 =	vld [tilespmem:s19+$0x5410]  }
0x1a6: {  	v6 =	vadd.f32 v8, v6  }
0x1a7: {  	v8 =	vld [tilespmem:s19+$0x5420]  }
0x1a8: {  	v6 =	vadd.f32 v9, v6  }
0x1a9: {  	v9 =	vld [tilespmem:s19+$0x5430]  }
0x1aa: {  	v6 =	vadd.f32 v7, v6  }
0x1ab: {  	v7 =	vld [tilespmem:s19+$0x5440]  }
0x1ac: {  	v6 =	vadd.f32 v8, v6  }
0x1ad: {  	v8 =	vld [tilespmem:s19+$0x5450]  }
0x1ae: {  	v6 =	vadd.f32 v9, v6  }
0x1af: {  	v9 =	vld [tilespmem:s19+$0x5460]  }
0x1b0: {  	v6 =	vadd.f32 v7, v6  }
0x1b1: {  	v7 =	vld [tilespmem:s19+$0x5470]  }
0x1b2: {  	v6 =	vadd.f32 v8, v6  }
0x1b3: {  	v8 =	vor.u32 s23, v4;
	s23 =	smov.u32 s24  }
.Ltmp2:
0x1b4: {  	v6 =	vadd.f32 v9, v6;
	(pc) =	sbr.rel @p0 .LBB2_7-.Ltmp2, $4  }
0x1b5: {  	_ = 	snop  }
0x1b6: {  	s25 =	sadd.s32 $0x80, s25;
	s26 =	sadd.s32 $0x200, s26;
	v6 =	vadd.f32 v7, v6  }
0x1b7: {  	s28 =	sand.u32 $0x380, s25;
	s19 =	sand.u32 $0x3000, s26  }
0x1b8: {  	s19 =	sor.u32 s28, s19;
	s24 =	sadd.s32 $0x1, s24;
	[tilespmem:v8+s20+$0x0] =	vst.idx.msk $0xffff, v6  }
0x1b9: {  	v6 =	vld [tilespmem:s19+$0x4810]  }
0x1ba: {  	v7 =	vld [tilespmem:s19+$0x4800];
	_ =	sdelay $0x1  }
0x1bb: {  	v8 =	vld [tilespmem:s19+$0x4820];
	_ =	sdelay $0x1  }
0x1bc: {  	v9 =	vld [tilespmem:s19+$0x4830]  }
0x1bd: {  	v6 =	vadd.f32 v6, v7  }
0x1be: {  	v7 =	vld [tilespmem:s19+$0x4840]  }
0x1bf: {  	v6 =	vadd.f32 v8, v6  }
0x1c0: {  	v26 =	vld [tilespmem:s19+$0x4850]  }
0x1c1: {  	v6 =	vadd.f32 v9, v6  }
0x1c2: {  	v27 =	vld [tilespmem:s19+$0x4860]  }
0x1c3: {  	v6 =	vadd.f32 v7, v6  }
0x1c4: {  	v7 =	vld [tilespmem:s19+$0x4870]  }
0x1c5: {  	v6 =	vadd.f32 v26, v6  }
0x1c6: {  	v28 =	vld [tilespmem:s19+$0x4C00]  }
0x1c7: {  	v6 =	vadd.f32 v27, v6  }
0x1c8: {  	v29 =	vld [tilespmem:s19+$0x4C10]  }
0x1c9: {  	v6 =	vadd.f32 v7, v6  }
0x1ca: {  	v7 =	vld [tilespmem:s19+$0x4C20]  }
0x1cb: {  	v6 =	vadd.f32 v28, v6  }
0x1cc: {  	v30 =	vld [tilespmem:s19+$0x4C30]  }
0x1cd: {  	v6 =	vadd.f32 v29, v6  }
0x1ce: {  	v31 =	vld [tilespmem:s19+$0x4C40]  }
0x1cf: {  	v6 =	vadd.f32 v7, v6  }
0x1d0: {  	v7 =	vld [tilespmem:s19+$0x4C50]  }
0x1d1: {  	v6 =	vadd.f32 v30, v6  }
0x1d2: {  	v32 =	vld [tilespmem:s19+$0x4C60]  }
0x1d3: {  	v6 =	vadd.f32 v31, v6  }
0x1d4: {  	v33 =	vld [tilespmem:s19+$0x4C70]  }
0x1d5: {  	v6 =	vadd.f32 v7, v6  }
0x1d6: {  	v7 =	vld [tilespmem:s19+$0x5000]  }
0x1d7: {  	v6 =	vadd.f32 v32, v6  }
0x1d8: {  	v34 =	vld [tilespmem:s19+$0x5010]  }
0x1d9: {  	v6 =	vadd.f32 v33, v6  }
0x1da: {  	v35 =	vld [tilespmem:s19+$0x5020]  }
0x1db: {  	v6 =	vadd.f32 v7, v6  }
0x1dc: {  	v7 =	vld [tilespmem:s19+$0x5030]  }
0x1dd: {  	v6 =	vadd.f32 v34, v6  }
0x1de: {  	v36 =	vld [tilespmem:s19+$0x5040]  }
0x1df: {  	v6 =	vadd.f32 v35, v6  }
0x1e0: {  	v37 =	vld [tilespmem:s19+$0x5050]  }
0x1e1: {  	v6 =	vadd.f32 v7, v6  }
0x1e2: {  	v7 =	vld [tilespmem:s19+$0x5060]  }
0x1e3: {  	v6 =	vadd.f32 v36, v6  }
0x1e4: {  	v38 =	vld [tilespmem:s19+$0x5070]  }
0x1e5: {  	v6 =	vadd.f32 v37, v6  }
0x1e6: {  	v39 =	vld [tilespmem:s19+$0x5400]  }
0x1e7: {  	v6 =	vadd.f32 v7, v6  }
0x1e8: {  	v7 =	vld [tilespmem:s19+$0x5410]  }
0x1e9: {  	v6 =	vadd.f32 v38, v6  }
0x1ea: {  	v40 =	vld [tilespmem:s19+$0x5420]  }
0x1eb: {  	v6 =	vadd.f32 v39, v6  }
0x1ec: {  	v41 =	vld [tilespmem:s19+$0x5430]  }
0x1ed: {  	v6 =	vadd.f32 v7, v6  }
0x1ee: {  	v7 =	vld [tilespmem:s19+$0x5440]  }
0x1ef: {  	v6 =	vadd.f32 v40, v6  }
0x1f0: {  	v42 =	vld [tilespmem:s19+$0x5450]  }
0x1f1: {  	v6 =	vadd.f32 v41, v6  }
0x1f2: {  	v43 =	vld [tilespmem:s19+$0x5460]  }
0x1f3: {  	v6 =	vadd.f32 v7, v6  }
0x1f4: {  	v7 =	vld [tilespmem:s19+$0x5470]  }
0x1f5: {  	v6 =	vadd.f32 v42, v6  }
0x1f6: {  	v44 =	vor.u32 s23, v4  }
0x1f7: {  	v6 =	vadd.f32 v43, v6;
	_ =	sdelay $0x1  }
0x1f8: {  	v6 =	vadd.f32 v7, v6;
	_ =	sdelay $0x1  }
0x1f9: {  	[tilespmem:v44+s20+$0x0] =	vst.idx.msk $0xffff, v6  }
0x1fa: {  	v6 =	vld [tilespmem:$0x10800]  }
0x1fb: {  	v7 =	vld [tilespmem:$0x10820];
	_ =	sdelay $0x1  }
0x1fc: {  	v8 =	vld [tilespmem:$0x10840];
	_ =	sdelay $0x1  }
0x1fd: {  	v45 =	vld [tilespmem:$0x10860]  }
0x1fe: {  	v6 =	vadd.f32 v7, v6  }
0x1ff: {  	v7 =	vld [tilespmem:$0x10880]  }
0x200: {  	v6 =	vadd.f32 v8, v6  }
0x201: {  	v46 =	vld [tilespmem:$0x108A0]  }
0x202: {  	v6 =	vadd.f32 v45, v6  }
0x203: {  	v47 =	vld [tilespmem:$0x108C0]  }
0x204: {  	v6 =	vadd.f32 v7, v6  }
0x205: {  	v7 =	vld [tilespmem:$0x108E0]  }
0x206: {  	v6 =	vadd.f32 v46, v6  }
0x207: {  	v48 =	vld [tilespmem:$0x10900]  }
0x208: {  	v6 =	vadd.f32 v47, v6  }
0x209: {  	v49 =	vld [tilespmem:$0x10920]  }
0x20a: {  	v6 =	vadd.f32 v7, v6  }
0x20b: {  	v7 =	vld [tilespmem:$0x10940]  }
0x20c: {  	v6 =	vadd.f32 v48, v6  }
0x20d: {  	v50 =	vld [tilespmem:$0x10960]  }
0x20e: {  	v6 =	vadd.f32 v49, v6  }
0x20f: {  	v51 =	vld [tilespmem:$0x10980]  }
0x210: {  	v6 =	vadd.f32 v7, v6  }
0x211: {  	v7 =	vld [tilespmem:$0x109A0]  }
0x212: {  	v6 =	vadd.f32 v50, v6  }
0x213: {  	v52 =	vld [tilespmem:$0x109C0]  }
0x214: {  	v6 =	vadd.f32 v51, v6  }
0x215: {  	v53 =	vld [tilespmem:$0x109E0]  }
0x216: {  	v6 =	vadd.f32 v7, v6;
	_ =	sdelay $0x1  }
0x217: {  	v6 =	vadd.f32 v52, v6;
	_ =	sdelay $0x1  }
0x218: {  	v6 =	vadd.f32 v53, v6;
	_ =	sdelay $0x1  }
0x219: {  	vm1 =	vlt.f32 v6, $0.0e+00;
	vm2 =	vgt.f32 v6, $0.0e+00  }
0x21a: {  	vm1 =	vmor vm2, vm1  }
0x21b: {  	v6 =	vsel vm1, $0x1, v5  }
0x21c: {  	[tilespmem:s18+$0x10A20] =	vst v6  }
0x21d: {  	v6 =	vld [tilespmem:$0x10810]  }
0x21e: {  	v7 =	vld [tilespmem:$0x10830];
	_ =	sdelay $0x1  }
0x21f: {  	v54 =	vld [tilespmem:$0x10850];
	_ =	sdelay $0x1  }
0x220: {  	v55 =	vld [tilespmem:$0x10870]  }
0x221: {  	v6 =	vadd.f32 v7, v6  }
0x222: {  	v7 =	vld [tilespmem:$0x10890]  }
0x223: {  	v6 =	vadd.f32 v54, v6  }
0x224: {  	v56 =	vld [tilespmem:$0x108B0]  }
0x225: {  	v6 =	vadd.f32 v55, v6  }
0x226: {  	v57 =	vld [tilespmem:$0x108D0]  }
0x227: {  	v6 =	vadd.f32 v7, v6  }
0x228: {  	v7 =	vld [tilespmem:$0x108F0]  }
0x229: {  	v6 =	vadd.f32 v56, v6  }
0x22a: {  	v58 =	vld [tilespmem:$0x10910]  }
0x22b: {  	v6 =	vadd.f32 v57, v6  }
0x22c: {  	v59 =	vld [tilespmem:$0x10930]  }
0x22d: {  	v6 =	vadd.f32 v7, v6  }
0x22e: {  	v7 =	vld [tilespmem:$0x10950]  }
0x22f: {  	v6 =	vadd.f32 v58, v6  }
0x230: {  	v60 =	vld [tilespmem:$0x10970]  }
0x231: {  	v6 =	vadd.f32 v59, v6  }
0x232: {  	v61 =	vld [tilespmem:$0x10990]  }
0x233: {  	v6 =	vadd.f32 v7, v6  }
0x234: {  	v7 =	vld [tilespmem:$0x109B0]  }
0x235: {  	v6 =	vadd.f32 v60, v6  }
0x236: {  	v62 =	vld [tilespmem:$0x109D0]  }
0x237: {  	v6 =	vadd.f32 v61, v6  }
0x238: {  	v63 =	vld [tilespmem:$0x109F0]  }
0x239: {  	v6 =	vadd.f32 v7, v6;
	_ =	sdelay $0x1  }
0x23a: {  	v6 =	vadd.f32 v62, v6;
	_ =	sdelay $0x1  }
0x23b: {  	v6 =	vadd.f32 v63, v6;
	_ =	sdelay $0x1  }
0x23c: {  	vm1 =	vlt.f32 v6, $0.0e+00;
	vm2 =	vgt.f32 v6, $0.0e+00  }
0x23d: {  	vm1 =	vmor vm2, vm1  }
0x23e: {  	v6 =	vsel vm1, $0x1, v5  }
0x23f: {  	[tilespmem:s18+$0x10A30] =	vst v6  }
0x240: {  	_ =	swait.ge [sflag:s7], $0x4000  }
0x241: {  	p0 =	seq.s32 s3, $0xF;
	[sflag:s7] =	ssyncset.done $0x0  }
0x242: {  	s17 =	sshrl.u32 @!p0 s17, $0x2;
	[sflag:s7] =	ssyncadd.s32 $0xFFFFC000  }
0x243: {  	v6 =	vld @!p0 [tilespmem:s17+$0x80];
	_ =	sdelay $0x4  }
0x244: {  	v7 =	vshll.u32 @!p0 v6, $0x2  }
0x245: {  	v8 =	vlaneseq.u32 @!p0;
	v6 =	vand.u32 @!p0 $0x7, v6;
	v7 =	vand.u32 @!p0 $0xFFFFFFE0, v7  }
0x246: {  	v9 =	vshrl.u32 @!p0 v8, $0x3;
	v6 =	vor.u32 @!p0 v6, v7;
	v7 =	vand.u32 @!p0 $0x7, v8  }
0x247: {  	v9 =	vmul.u32 @!p0 $0x8, v9;
	v10 =	vperm.xlane @!p0 v6, v7;
	_ =	sdelay $0x1  }
0x248: {  	v10 =	vadd.s32 @!p0 v9, v10  }
0x249: {  	v8 =	vor.u32 @!p0 $0x8, v8  }
0x24a: {  	v6 =	vperm.xlane @!p0 v6, v8;
	_ =	sdelay $0x1  }
0x24b: {  	s19 =	simm.s32 @!p0 $0x800;
	vm1 =	vmmov @!p0 $0xffff;
	s18 =	simm.s32 @!p0 $0x0;
	v6 =	vadd.s32 @!p0 v9, v6  }
0x24c: {  	[tilespmem:s19], [sflag:$0x1] =	stream.indirect_vreg.gather @!p0 [hbm4b:s1+s18], $0x80, v10, vm1, $0xb8;
	[tilespmem:$0x11200] =	vst v63  }
0x24d: {  	s19 =	simm.s32 @!p0 $0x1000  }
0x24e: {  	[tilespmem:s19], [sflag:$0x1] =	stream.indirect_vreg.gather @!p0 [hbm4b:s8+s18], $0x80, v10, vm1, $0xb8;
	[tilespmem:$0x11200] =	vst v63  }
0x24f: {  	s19 =	simm.s32 @!p0 $0x1800  }
0x250: {  	[tilespmem:s19], [sflag:$0x1] =	stream.indirect_vreg.gather @!p0 [hbm4b:s1+s18], $0x80, v6, vm1, $0xb8;
	[tilespmem:$0x11200] =	vst v63  }
0x251: {  	s19 =	simm.s32 @!p0 $0x2000  }
0x252: {  	[tilespmem:s19], [sflag:$0x1] =	stream.indirect_vreg.gather @!p0 [hbm4b:s8+s18], $0x80, v6, vm1, $0xb8;
	[tilespmem:$0x11200] =	vst v63  }
0x253: {  	v6 =	vld @!p0 [tilespmem:s17+$0x90];
	_ =	sdelay $0x4  }
0x254: {  	v10 =	vshll.u32 @!p0 v6, $0x2  }
0x255: {  	v6 =	vand.u32 @!p0 $0x7, v6;
	v10 =	vand.u32 @!p0 $0xFFFFFFE0, v10  }
0x256: {  	v6 =	vor.u32 @!p0 v6, v10  }
0x257: {  	v7 =	vperm.xlane @!p0 v6, v7;
	_ =	sdelay $0x1  }
0x258: {  	v7 =	vadd.s32 @!p0 v9, v7;
	_ =	sdelay $0x1  }
0x259: {  	v6 =	vperm.xlane @!p0 v6, v8;
	_ =	sdelay $0x1  }
0x25a: {  	s19 =	simm.s32 @!p0 $0x2800;
	v6 =	vadd.s32 @!p0 v9, v6  }
0x25b: {  	[tilespmem:s19], [sflag:$0x1] =	stream.indirect_vreg.gather @!p0 [hbm4b:s1+s18], $0x80, v7, vm1, $0xb8;
	[tilespmem:$0x11200] =	vst v63  }
0x25c: {  	s19 =	simm.s32 @!p0 $0x3000  }
0x25d: {  	[tilespmem:s19], [sflag:$0x1] =	stream.indirect_vreg.gather @!p0 [hbm4b:s8+s18], $0x80, v7, vm1, $0xb8;
	[tilespmem:$0x11200] =	vst v63  }
0x25e: {  	s19 =	simm.s32 @!p0 $0x3800  }
0x25f: {  	[tilespmem:s19], [sflag:$0x1] =	stream.indirect_vreg.gather @!p0 [hbm4b:s1+s18], $0x80, v6, vm1, $0xb8;
	[tilespmem:$0x11200] =	vst v63  }
0x260: {  	s24 =	sadd.s32 s5, s16;
	s19 =	simm.s32 @!p0 $0x4000  }
0x261: {  	[tilespmem:s19], [sflag:$0x1] =	stream.indirect_vreg.gather @!p0 [hbm4b:s8+s18], $0x80, v6, vm1, $0xb8;
	[tilespmem:$0x11200] =	vst v63  }
0x262: {  	s23 =	simm.s32 $0x1;
	s18 =	sshll.u32 s24, $0x6;
	_ =	swait.ge [sflag:s10], $0x4000  }
0x263: {  	s25 =	sadd.s32 s2, s18;
	s18 =	simm.s32 $0x0;
	[sflag:s10] =	ssyncset.done $0x0  }
0x264: {  	s26 =	sand.u32 $0x3000, s18;
	s28 =	sand.u32 $0x380, s18;
	[sflag:s10] =	ssyncadd.s32 $0xFFFFC000  }
0x265: {  	[hbm4b:s25+s18] =	stream.linear.scatter [tilespmem:s31], [sflag:$0x7], $0x4000, $0x38;
	[tilespmem:$0x11200] =	vst v63  }
0x266: {  	s24 =	simm.s32 $0x0;
	s19 =	sor.u32 s28, s26;
	s25 =	simm.s32 $0x0  }
.LBB2_9:
0x267: {  	p1 =	sne.s32 s23, $0x1F;
	v6 =	vld [tilespmem:s19+$0x8810]  }
0x268: {  	v7 =	vld [tilespmem:s19+$0x8800];
	_ =	sdelay $0x1  }
0x269: {  	v8 =	vld [tilespmem:s19+$0x8820];
	_ =	sdelay $0x1  }
0x26a: {  	v9 =	vld [tilespmem:s19+$0x8830]  }
0x26b: {  	v6 =	vadd.f32 v6, v7  }
0x26c: {  	v7 =	vld [tilespmem:s19+$0x8840]  }
0x26d: {  	v6 =	vadd.f32 v8, v6  }
0x26e: {  	v8 =	vld [tilespmem:s19+$0x8850]  }
0x26f: {  	v6 =	vadd.f32 v9, v6  }
0x270: {  	v9 =	vld [tilespmem:s19+$0x8860]  }
0x271: {  	v6 =	vadd.f32 v7, v6  }
0x272: {  	v7 =	vld [tilespmem:s19+$0x8870]  }
0x273: {  	v6 =	vadd.f32 v8, v6  }
0x274: {  	v8 =	vld [tilespmem:s19+$0x8C00]  }
0x275: {  	v6 =	vadd.f32 v9, v6  }
0x276: {  	v9 =	vld [tilespmem:s19+$0x8C10]  }
0x277: {  	v6 =	vadd.f32 v7, v6  }
0x278: {  	v7 =	vld [tilespmem:s19+$0x8C20]  }
0x279: {  	v6 =	vadd.f32 v8, v6  }
0x27a: {  	v8 =	vld [tilespmem:s19+$0x8C30]  }
0x27b: {  	v6 =	vadd.f32 v9, v6  }
0x27c: {  	v9 =	vld [tilespmem:s19+$0x8C40]  }
0x27d: {  	v6 =	vadd.f32 v7, v6  }
0x27e: {  	v7 =	vld [tilespmem:s19+$0x8C50]  }
0x27f: {  	v6 =	vadd.f32 v8, v6  }
0x280: {  	v8 =	vld [tilespmem:s19+$0x8C60]  }
0x281: {  	v6 =	vadd.f32 v9, v6  }
0x282: {  	v9 =	vld [tilespmem:s19+$0x8C70]  }
0x283: {  	v6 =	vadd.f32 v7, v6  }
0x284: {  	v7 =	vld [tilespmem:s19+$0x9000]  }
0x285: {  	v6 =	vadd.f32 v8, v6  }
0x286: {  	v8 =	vld [tilespmem:s19+$0x9010]  }
0x287: {  	v6 =	vadd.f32 v9, v6  }
0x288: {  	v9 =	vld [tilespmem:s19+$0x9020]  }
0x289: {  	v6 =	vadd.f32 v7, v6  }
0x28a: {  	v7 =	vld [tilespmem:s19+$0x9030]  }
0x28b: {  	v6 =	vadd.f32 v8, v6  }
0x28c: {  	v8 =	vld [tilespmem:s19+$0x9040]  }
0x28d: {  	v6 =	vadd.f32 v9, v6  }
0x28e: {  	v9 =	vld [tilespmem:s19+$0x9050]  }
0x28f: {  	v6 =	vadd.f32 v7, v6  }
0x290: {  	v7 =	vld [tilespmem:s19+$0x9060]  }
0x291: {  	v6 =	vadd.f32 v8, v6  }
0x292: {  	v8 =	vld [tilespmem:s19+$0x9070]  }
0x293: {  	v6 =	vadd.f32 v9, v6  }
0x294: {  	v9 =	vld [tilespmem:s19+$0x9400]  }
0x295: {  	v6 =	vadd.f32 v7, v6  }
0x296: {  	v7 =	vld [tilespmem:s19+$0x9410]  }
0x297: {  	v6 =	vadd.f32 v8, v6  }
0x298: {  	v8 =	vld [tilespmem:s19+$0x9420]  }
0x299: {  	v6 =	vadd.f32 v9, v6  }
0x29a: {  	v9 =	vld [tilespmem:s19+$0x9430]  }
0x29b: {  	v6 =	vadd.f32 v7, v6  }
0x29c: {  	v7 =	vld [tilespmem:s19+$0x9440]  }
0x29d: {  	v6 =	vadd.f32 v8, v6  }
0x29e: {  	v8 =	vld [tilespmem:s19+$0x9450]  }
0x29f: {  	v6 =	vadd.f32 v9, v6  }
0x2a0: {  	v9 =	vld [tilespmem:s19+$0x9460]  }
0x2a1: {  	v6 =	vadd.f32 v7, v6  }
0x2a2: {  	v7 =	vld [tilespmem:s19+$0x9470]  }
0x2a3: {  	v6 =	vadd.f32 v8, v6  }
0x2a4: {  	v8 =	vor.u32 s18, v4;
	s18 =	smov.u32 s23  }
.Ltmp3:
0x2a5: {  	v6 =	vadd.f32 v9, v6;
	(pc) =	sbr.rel @p1 .LBB2_9-.Ltmp3, $4  }
0x2a6: {  	_ = 	snop  }
0x2a7: {  	s24 =	sadd.s32 $0x80, s24;
	s25 =	sadd.s32 $0x200, s25;
	v6 =	vadd.f32 v7, v6  }
0x2a8: {  	s26 =	sand.u32 $0x380, s24;
	s19 =	sand.u32 $0x3000, s25  }
0x2a9: {  	s19 =	sor.u32 s26, s19;
	s23 =	sadd.s32 $0x1, s23;
	[tilespmem:v8+s20+$0x0] =	vst.idx.msk $0xffff, v6  }
0x2aa: {  	v6 =	vld [tilespmem:s19+$0x8810]  }
0x2ab: {  	v7 =	vld [tilespmem:s19+$0x8800];
	_ =	sdelay $0x1  }
0x2ac: {  	v8 =	vld [tilespmem:s19+$0x8820];
	_ =	sdelay $0x1  }
0x2ad: {  	v9 =	vld [tilespmem:s19+$0x8830]  }
0x2ae: {  	v6 =	vadd.f32 v6, v7  }
0x2af: {  	v7 =	vld [tilespmem:s19+$0x8840]  }
0x2b0: {  	v6 =	vadd.f32 v8, v6  }
0x2b1: {  	v26 =	vld [tilespmem:s19+$0x8850]  }
0x2b2: {  	v6 =	vadd.f32 v9, v6  }
0x2b3: {  	v27 =	vld [tilespmem:s19+$0x8860]  }
0x2b4: {  	v6 =	vadd.f32 v7, v6  }
0x2b5: {  	v7 =	vld [tilespmem:s19+$0x8870]  }
0x2b6: {  	v6 =	vadd.f32 v26, v6  }
0x2b7: {  	v28 =	vld [tilespmem:s19+$0x8C00]  }
0x2b8: {  	v6 =	vadd.f32 v27, v6  }
0x2b9: {  	v29 =	vld [tilespmem:s19+$0x8C10]  }
0x2ba: {  	v6 =	vadd.f32 v7, v6  }
0x2bb: {  	v7 =	vld [tilespmem:s19+$0x8C20]  }
0x2bc: {  	v6 =	vadd.f32 v28, v6  }
0x2bd: {  	v30 =	vld [tilespmem:s19+$0x8C30]  }
0x2be: {  	v6 =	vadd.f32 v29, v6  }
0x2bf: {  	v31 =	vld [tilespmem:s19+$0x8C40]  }
0x2c0: {  	v6 =	vadd.f32 v7, v6  }
0x2c1: {  	v7 =	vld [tilespmem:s19+$0x8C50]  }
0x2c2: {  	v6 =	vadd.f32 v30, v6  }
0x2c3: {  	v32 =	vld [tilespmem:s19+$0x8C60]  }
0x2c4: {  	v6 =	vadd.f32 v31, v6  }
0x2c5: {  	v33 =	vld [tilespmem:s19+$0x8C70]  }
0x2c6: {  	v6 =	vadd.f32 v7, v6  }
0x2c7: {  	v7 =	vld [tilespmem:s19+$0x9000]  }
0x2c8: {  	v6 =	vadd.f32 v32, v6  }
0x2c9: {  	v34 =	vld [tilespmem:s19+$0x9010]  }
0x2ca: {  	v6 =	vadd.f32 v33, v6  }
0x2cb: {  	v35 =	vld [tilespmem:s19+$0x9020]  }
0x2cc: {  	v6 =	vadd.f32 v7, v6  }
0x2cd: {  	v7 =	vld [tilespmem:s19+$0x9030]  }
0x2ce: {  	v6 =	vadd.f32 v34, v6  }
0x2cf: {  	v36 =	vld [tilespmem:s19+$0x9040]  }
0x2d0: {  	v6 =	vadd.f32 v35, v6  }
0x2d1: {  	v37 =	vld [tilespmem:s19+$0x9050]  }
0x2d2: {  	v6 =	vadd.f32 v7, v6  }
0x2d3: {  	v7 =	vld [tilespmem:s19+$0x9060]  }
0x2d4: {  	v6 =	vadd.f32 v36, v6  }
0x2d5: {  	v38 =	vld [tilespmem:s19+$0x9070]  }
0x2d6: {  	v6 =	vadd.f32 v37, v6  }
0x2d7: {  	v39 =	vld [tilespmem:s19+$0x9400]  }
0x2d8: {  	v6 =	vadd.f32 v7, v6  }
0x2d9: {  	v7 =	vld [tilespmem:s19+$0x9410]  }
0x2da: {  	v6 =	vadd.f32 v38, v6  }
0x2db: {  	v40 =	vld [tilespmem:s19+$0x9420]  }
0x2dc: {  	v6 =	vadd.f32 v39, v6  }
0x2dd: {  	v41 =	vld [tilespmem:s19+$0x9430]  }
0x2de: {  	v6 =	vadd.f32 v7, v6  }
0x2df: {  	v7 =	vld [tilespmem:s19+$0x9440]  }
0x2e0: {  	v6 =	vadd.f32 v40, v6  }
0x2e1: {  	v42 =	vld [tilespmem:s19+$0x9450]  }
0x2e2: {  	v6 =	vadd.f32 v41, v6  }
0x2e3: {  	v43 =	vld [tilespmem:s19+$0x9460]  }
0x2e4: {  	v6 =	vadd.f32 v7, v6  }
0x2e5: {  	v7 =	vld [tilespmem:s19+$0x9470]  }
0x2e6: {  	v6 =	vadd.f32 v42, v6  }
0x2e7: {  	v44 =	vor.u32 s18, v4  }
0x2e8: {  	v6 =	vadd.f32 v43, v6;
	_ =	sdelay $0x1  }
0x2e9: {  	v6 =	vadd.f32 v7, v6;
	_ =	sdelay $0x1  }
0x2ea: {  	[tilespmem:v44+s20+$0x0] =	vst.idx.msk $0xffff, v6  }
0x2eb: {  	v6 =	vld [tilespmem:$0x10800]  }
0x2ec: {  	v7 =	vld [tilespmem:$0x10820];
	_ =	sdelay $0x1  }
0x2ed: {  	v8 =	vld [tilespmem:$0x10840];
	_ =	sdelay $0x1  }
0x2ee: {  	v45 =	vld [tilespmem:$0x10860]  }
0x2ef: {  	v6 =	vadd.f32 v7, v6  }
0x2f0: {  	v7 =	vld [tilespmem:$0x10880]  }
0x2f1: {  	v6 =	vadd.f32 v8, v6  }
0x2f2: {  	v46 =	vld [tilespmem:$0x108A0]  }
0x2f3: {  	v6 =	vadd.f32 v45, v6  }
0x2f4: {  	v47 =	vld [tilespmem:$0x108C0]  }
0x2f5: {  	v6 =	vadd.f32 v7, v6  }
0x2f6: {  	v7 =	vld [tilespmem:$0x108E0]  }
0x2f7: {  	v6 =	vadd.f32 v46, v6  }
0x2f8: {  	v48 =	vld [tilespmem:$0x10900]  }
0x2f9: {  	v6 =	vadd.f32 v47, v6  }
0x2fa: {  	v49 =	vld [tilespmem:$0x10920]  }
0x2fb: {  	v6 =	vadd.f32 v7, v6  }
0x2fc: {  	v7 =	vld [tilespmem:$0x10940]  }
0x2fd: {  	v6 =	vadd.f32 v48, v6  }
0x2fe: {  	v50 =	vld [tilespmem:$0x10960]  }
0x2ff: {  	v6 =	vadd.f32 v49, v6  }
0x300: {  	v51 =	vld [tilespmem:$0x10980]  }
0x301: {  	v6 =	vadd.f32 v7, v6  }
0x302: {  	v7 =	vld [tilespmem:$0x109A0]  }
0x303: {  	v6 =	vadd.f32 v50, v6  }
0x304: {  	v52 =	vld [tilespmem:$0x109C0]  }
0x305: {  	v6 =	vadd.f32 v51, v6  }
0x306: {  	v53 =	vld [tilespmem:$0x109E0]  }
0x307: {  	v6 =	vadd.f32 v7, v6;
	_ =	sdelay $0x1  }
0x308: {  	v6 =	vadd.f32 v52, v6;
	_ =	sdelay $0x1  }
0x309: {  	v6 =	vadd.f32 v53, v6;
	_ =	sdelay $0x1  }
0x30a: {  	vm2 =	vlt.f32 v6, $0.0e+00;
	vm3 =	vgt.f32 v6, $0.0e+00  }
0x30b: {  	vm2 =	vmor vm3, vm2  }
0x30c: {  	v6 =	vsel vm2, $0x1, v5  }
0x30d: {  	[tilespmem:s16+$0x10A00] =	vst v6  }
0x30e: {  	v6 =	vld [tilespmem:$0x10810]  }
0x30f: {  	v7 =	vld [tilespmem:$0x10830];
	_ =	sdelay $0x1  }
0x310: {  	v54 =	vld [tilespmem:$0x10850];
	_ =	sdelay $0x1  }
0x311: {  	v55 =	vld [tilespmem:$0x10870]  }
0x312: {  	v6 =	vadd.f32 v7, v6  }
0x313: {  	v7 =	vld [tilespmem:$0x10890]  }
0x314: {  	v6 =	vadd.f32 v54, v6  }
0x315: {  	v56 =	vld [tilespmem:$0x108B0]  }
0x316: {  	v6 =	vadd.f32 v55, v6  }
0x317: {  	v57 =	vld [tilespmem:$0x108D0]  }
0x318: {  	v6 =	vadd.f32 v7, v6  }
0x319: {  	v7 =	vld [tilespmem:$0x108F0]  }
0x31a: {  	v6 =	vadd.f32 v56, v6  }
0x31b: {  	v58 =	vld [tilespmem:$0x10910]  }
0x31c: {  	v6 =	vadd.f32 v57, v6  }
0x31d: {  	v59 =	vld [tilespmem:$0x10930]  }
0x31e: {  	v6 =	vadd.f32 v7, v6  }
0x31f: {  	v7 =	vld [tilespmem:$0x10950]  }
0x320: {  	v6 =	vadd.f32 v58, v6  }
0x321: {  	v60 =	vld [tilespmem:$0x10970]  }
0x322: {  	v6 =	vadd.f32 v59, v6  }
0x323: {  	v61 =	vld [tilespmem:$0x10990]  }
0x324: {  	v6 =	vadd.f32 v7, v6  }
0x325: {  	v7 =	vld [tilespmem:$0x109B0]  }
0x326: {  	v6 =	vadd.f32 v60, v6  }
0x327: {  	v62 =	vld [tilespmem:$0x109D0]  }
0x328: {  	v6 =	vadd.f32 v61, v6  }
0x329: {  	v63 =	vld [tilespmem:$0x109F0]  }
0x32a: {  	v6 =	vadd.f32 v7, v6;
	_ =	sdelay $0x1  }
0x32b: {  	v6 =	vadd.f32 v62, v6;
	_ =	sdelay $0x1  }
0x32c: {  	v6 =	vadd.f32 v63, v6;
	_ =	sdelay $0x1  }
0x32d: {  	vm2 =	vlt.f32 v6, $0.0e+00;
	vm3 =	vgt.f32 v6, $0.0e+00  }
0x32e: {  	vm2 =	vmor vm3, vm2  }
0x32f: {  	s23 =	sor.u32 $0x50, s16;
	v6 =	vsel vm2, $0x1, v5  }
0x330: {  	[tilespmem:s23+$0x10A00] =	vst v6  }
0x331: {  	_ =	swait.ge [sflag:s11], $0x4000  }
0x332: {  	[sflag:s11] =	ssyncset.done $0x0  }
0x333: {  	[sflag:s11] =	ssyncadd.s32 $0xFFFFC000  }
0x334: {  	v6 =	vld @!p0 [tilespmem:s17+$0xA0];
	_ =	sdelay $0x4  }
0x335: {  	v7 =	vshll.u32 @!p0 v6, $0x2  }
0x336: {  	v8 =	vlaneseq.u32 @!p0;
	v6 =	vand.u32 @!p0 $0x7, v6;
	v7 =	vand.u32 @!p0 $0xFFFFFFE0, v7  }
0x337: {  	v9 =	vshrl.u32 @!p0 v8, $0x3;
	v6 =	vor.u32 @!p0 v6, v7;
	v7 =	vand.u32 @!p0 $0x7, v8  }
0x338: {  	v9 =	vmul.u32 @!p0 $0x8, v9;
	v10 =	vperm.xlane @!p0 v6, v7;
	_ =	sdelay $0x1  }
0x339: {  	v10 =	vadd.s32 @!p0 v9, v10  }
0x33a: {  	v8 =	vor.u32 @!p0 $0x8, v8  }
0x33b: {  	v6 =	vperm.xlane @!p0 v6, v8;
	_ =	sdelay $0x1  }
0x33c: {  	s18 =	simm.s32 @!p0 $0x4800;
	s16 =	simm.s32 @!p0 $0x0;
	v6 =	vadd.s32 @!p0 v9, v6  }
0x33d: {  	[tilespmem:s18], [sflag:$0x2] =	stream.indirect_vreg.gather @!p0 [hbm4b:s1+s16], $0x80, v10, vm1, $0xb8;
	[tilespmem:$0x11200] =	vst v63  }
0x33e: {  	s18 =	simm.s32 @!p0 $0x5000  }
0x33f: {  	[tilespmem:s18], [sflag:$0x2] =	stream.indirect_vreg.gather @!p0 [hbm4b:s8+s16], $0x80, v10, vm1, $0xb8;
	[tilespmem:$0x11200] =	vst v63  }
0x340: {  	s18 =	simm.s32 @!p0 $0x5800  }
0x341: {  	[tilespmem:s18], [sflag:$0x2] =	stream.indirect_vreg.gather @!p0 [hbm4b:s1+s16], $0x80, v6, vm1, $0xb8;
	[tilespmem:$0x11200] =	vst v63  }
0x342: {  	s18 =	simm.s32 @!p0 $0x6000  }
0x343: {  	[tilespmem:s18], [sflag:$0x2] =	stream.indirect_vreg.gather @!p0 [hbm4b:s8+s16], $0x80, v6, vm1, $0xb8;
	[tilespmem:$0x11200] =	vst v63  }
0x344: {  	v6 =	vld @!p0 [tilespmem:s17+$0xB0];
	_ =	sdelay $0x4  }
0x345: {  	v10 =	vshll.u32 @!p0 v6, $0x2  }
0x346: {  	v6 =	vand.u32 @!p0 $0x7, v6;
	v10 =	vand.u32 @!p0 $0xFFFFFFE0, v10  }
0x347: {  	v6 =	vor.u32 @!p0 v6, v10  }
0x348: {  	v7 =	vperm.xlane @!p0 v6, v7;
	_ =	sdelay $0x1  }
0x349: {  	v7 =	vadd.s32 @!p0 v9, v7;
	_ =	sdelay $0x1  }
0x34a: {  	v6 =	vperm.xlane @!p0 v6, v8;
	_ =	sdelay $0x1  }
0x34b: {  	s17 =	simm.s32 @!p0 $0x6800;
	v6 =	vadd.s32 @!p0 v9, v6  }
0x34c: {  	[tilespmem:s17], [sflag:$0x2] =	stream.indirect_vreg.gather @!p0 [hbm4b:s1+s16], $0x80, v7, vm1, $0xb8;
	[tilespmem:$0x11200] =	vst v63  }
0x34d: {  	s17 =	simm.s32 @!p0 $0x7000  }
0x34e: {  	[tilespmem:s17], [sflag:$0x2] =	stream.indirect_vreg.gather @!p0 [hbm4b:s8+s16], $0x80, v7, vm1, $0xb8;
	[tilespmem:$0x11200] =	vst v63  }
0x34f: {  	s17 =	simm.s32 @!p0 $0x7800  }
0x350: {  	[tilespmem:s17], [sflag:$0x2] =	stream.indirect_vreg.gather @!p0 [hbm4b:s1+s16], $0x80, v6, vm1, $0xb8;
	[tilespmem:$0x11200] =	vst v63  }
0x351: {  	s24 =	sadd.s32 s5, s15;
	s17 =	simm.s32 @!p0 $0x8000  }
0x352: {  	[tilespmem:s17], [sflag:$0x2] =	stream.indirect_vreg.gather @!p0 [hbm4b:s8+s16], $0x80, v6, vm1, $0xb8;
	[tilespmem:$0x11200] =	vst v63  }
0x353: {  	s19 =	simm.s32 $0x0;
	s23 =	simm.s32 $0x0;
	s16 =	sshll.u32 s24, $0x6  }
0x354: {  	_ =	swait.ge [sflag:s13], $0x4000;
	s25 =	sadd.s32 s2, s16;
	s16 =	simm.s32 $0x0  }
0x355: {  	[sflag:s13] =	ssyncset.done $0x0;
	s26 =	sand.u32 $0x3000, s16;
	s28 =	sand.u32 $0x380, s16  }
0x356: {  	s18 =	simm.s32 $0x1;
	[sflag:s13] =	ssyncadd.s32 $0xFFFFC000;
	s17 =	sor.u32 s28, s26  }
0x357: {  	[hbm4b:s25+s16] =	stream.linear.scatter [tilespmem:s21], [sflag:$0x8], $0x4000, $0x38;
	[tilespmem:$0x11200] =	vst v63  }
.LBB2_11:
0x358: {  	p0 =	sne.s32 s18, $0x1F;
	v6 =	vld [tilespmem:s17+$0xC810]  }
0x359: {  	v7 =	vld [tilespmem:s17+$0xC800];
	_ =	sdelay $0x1  }
0x35a: {  	v8 =	vld [tilespmem:s17+$0xC820];
	_ =	sdelay $0x1  }
0x35b: {  	v9 =	vld [tilespmem:s17+$0xC830]  }
0x35c: {  	v6 =	vadd.f32 v6, v7  }
0x35d: {  	v7 =	vld [tilespmem:s17+$0xC840]  }
0x35e: {  	v6 =	vadd.f32 v8, v6  }
0x35f: {  	v8 =	vld [tilespmem:s17+$0xC850]  }
0x360: {  	v6 =	vadd.f32 v9, v6  }
0x361: {  	v9 =	vld [tilespmem:s17+$0xC860]  }
0x362: {  	v6 =	vadd.f32 v7, v6  }
0x363: {  	v7 =	vld [tilespmem:s17+$0xC870]  }
0x364: {  	v6 =	vadd.f32 v8, v6  }
0x365: {  	v8 =	vld [tilespmem:s17+$0xCC00]  }
0x366: {  	v6 =	vadd.f32 v9, v6  }
0x367: {  	v9 =	vld [tilespmem:s17+$0xCC10]  }
0x368: {  	v6 =	vadd.f32 v7, v6  }
0x369: {  	v7 =	vld [tilespmem:s17+$0xCC20]  }
0x36a: {  	v6 =	vadd.f32 v8, v6  }
0x36b: {  	v8 =	vld [tilespmem:s17+$0xCC30]  }
0x36c: {  	v6 =	vadd.f32 v9, v6  }
0x36d: {  	v9 =	vld [tilespmem:s17+$0xCC40]  }
0x36e: {  	v6 =	vadd.f32 v7, v6  }
0x36f: {  	v7 =	vld [tilespmem:s17+$0xCC50]  }
0x370: {  	v6 =	vadd.f32 v8, v6  }
0x371: {  	v8 =	vld [tilespmem:s17+$0xCC60]  }
0x372: {  	v6 =	vadd.f32 v9, v6  }
0x373: {  	v9 =	vld [tilespmem:s17+$0xCC70]  }
0x374: {  	v6 =	vadd.f32 v7, v6  }
0x375: {  	v7 =	vld [tilespmem:s17+$0xD000]  }
0x376: {  	v6 =	vadd.f32 v8, v6  }
0x377: {  	v8 =	vld [tilespmem:s17+$0xD010]  }
0x378: {  	v6 =	vadd.f32 v9, v6  }
0x379: {  	v9 =	vld [tilespmem:s17+$0xD020]  }
0x37a: {  	v6 =	vadd.f32 v7, v6  }
0x37b: {  	v7 =	vld [tilespmem:s17+$0xD030]  }
0x37c: {  	v6 =	vadd.f32 v8, v6  }
0x37d: {  	v8 =	vld [tilespmem:s17+$0xD040]  }
0x37e: {  	v6 =	vadd.f32 v9, v6  }
0x37f: {  	v9 =	vld [tilespmem:s17+$0xD050]  }
0x380: {  	v6 =	vadd.f32 v7, v6  }
0x381: {  	v7 =	vld [tilespmem:s17+$0xD060]  }
0x382: {  	v6 =	vadd.f32 v8, v6  }
0x383: {  	v8 =	vld [tilespmem:s17+$0xD070]  }
0x384: {  	v6 =	vadd.f32 v9, v6  }
0x385: {  	v9 =	vld [tilespmem:s17+$0xD400]  }
0x386: {  	v6 =	vadd.f32 v7, v6  }
0x387: {  	v7 =	vld [tilespmem:s17+$0xD410]  }
0x388: {  	v6 =	vadd.f32 v8, v6  }
0x389: {  	v8 =	vld [tilespmem:s17+$0xD420]  }
0x38a: {  	v6 =	vadd.f32 v9, v6  }
0x38b: {  	v9 =	vld [tilespmem:s17+$0xD430]  }
0x38c: {  	v6 =	vadd.f32 v7, v6  }
0x38d: {  	v7 =	vld [tilespmem:s17+$0xD440]  }
0x38e: {  	v6 =	vadd.f32 v8, v6  }
0x38f: {  	v8 =	vld [tilespmem:s17+$0xD450]  }
0x390: {  	v6 =	vadd.f32 v9, v6  }
0x391: {  	v9 =	vld [tilespmem:s17+$0xD460]  }
0x392: {  	v6 =	vadd.f32 v7, v6  }
0x393: {  	v7 =	vld [tilespmem:s17+$0xD470]  }
0x394: {  	v6 =	vadd.f32 v8, v6  }
0x395: {  	v8 =	vor.u32 s16, v4;
	s16 =	smov.u32 s18  }
.Ltmp4:
0x396: {  	v6 =	vadd.f32 v9, v6;
	(pc) =	sbr.rel @p0 .LBB2_11-.Ltmp4, $4  }
0x397: {  	_ = 	snop  }
0x398: {  	s19 =	sadd.s32 $0x80, s19;
	s23 =	sadd.s32 $0x200, s23;
	v6 =	vadd.f32 v7, v6  }
0x399: {  	s24 =	sand.u32 $0x380, s19;
	s17 =	sand.u32 $0x3000, s23  }
0x39a: {  	s17 =	sor.u32 s24, s17;
	s18 =	sadd.s32 $0x1, s18;
	[tilespmem:v8+s20+$0x0] =	vst.idx.msk $0xffff, v6  }
0x39b: {  	v6 =	vld [tilespmem:s17+$0xC810]  }
0x39c: {  	v7 =	vld [tilespmem:s17+$0xC800];
	_ =	sdelay $0x1  }
0x39d: {  	v8 =	vld [tilespmem:s17+$0xC820];
	_ =	sdelay $0x1  }
0x39e: {  	v9 =	vld [tilespmem:s17+$0xC830]  }
0x39f: {  	v6 =	vadd.f32 v6, v7  }
0x3a0: {  	v7 =	vld [tilespmem:s17+$0xC840]  }
0x3a1: {  	v6 =	vadd.f32 v8, v6  }
0x3a2: {  	v26 =	vld [tilespmem:s17+$0xC850]  }
0x3a3: {  	v6 =	vadd.f32 v9, v6  }
0x3a4: {  	v27 =	vld [tilespmem:s17+$0xC860]  }
0x3a5: {  	v6 =	vadd.f32 v7, v6  }
0x3a6: {  	v7 =	vld [tilespmem:s17+$0xC870]  }
0x3a7: {  	v6 =	vadd.f32 v26, v6  }
0x3a8: {  	v28 =	vld [tilespmem:s17+$0xCC00]  }
0x3a9: {  	v6 =	vadd.f32 v27, v6  }
0x3aa: {  	v29 =	vld [tilespmem:s17+$0xCC10]  }
0x3ab: {  	v6 =	vadd.f32 v7, v6  }
0x3ac: {  	v7 =	vld [tilespmem:s17+$0xCC20]  }
0x3ad: {  	v6 =	vadd.f32 v28, v6  }
0x3ae: {  	v30 =	vld [tilespmem:s17+$0xCC30]  }
0x3af: {  	v6 =	vadd.f32 v29, v6  }
0x3b0: {  	v31 =	vld [tilespmem:s17+$0xCC40]  }
0x3b1: {  	v6 =	vadd.f32 v7, v6  }
0x3b2: {  	v7 =	vld [tilespmem:s17+$0xCC50]  }
0x3b3: {  	v6 =	vadd.f32 v30, v6  }
0x3b4: {  	v32 =	vld [tilespmem:s17+$0xCC60]  }
0x3b5: {  	v6 =	vadd.f32 v31, v6  }
0x3b6: {  	v33 =	vld [tilespmem:s17+$0xCC70]  }
0x3b7: {  	v6 =	vadd.f32 v7, v6  }
0x3b8: {  	v7 =	vld [tilespmem:s17+$0xD000]  }
0x3b9: {  	v6 =	vadd.f32 v32, v6  }
0x3ba: {  	v34 =	vld [tilespmem:s17+$0xD010]  }
0x3bb: {  	v6 =	vadd.f32 v33, v6  }
0x3bc: {  	v35 =	vld [tilespmem:s17+$0xD020]  }
0x3bd: {  	v6 =	vadd.f32 v7, v6  }
0x3be: {  	v7 =	vld [tilespmem:s17+$0xD030]  }
0x3bf: {  	v6 =	vadd.f32 v34, v6  }
0x3c0: {  	v36 =	vld [tilespmem:s17+$0xD040]  }
0x3c1: {  	v6 =	vadd.f32 v35, v6  }
0x3c2: {  	v37 =	vld [tilespmem:s17+$0xD050]  }
0x3c3: {  	v6 =	vadd.f32 v7, v6  }
0x3c4: {  	v7 =	vld [tilespmem:s17+$0xD060]  }
0x3c5: {  	v6 =	vadd.f32 v36, v6  }
0x3c6: {  	v38 =	vld [tilespmem:s17+$0xD070]  }
0x3c7: {  	v6 =	vadd.f32 v37, v6  }
0x3c8: {  	v39 =	vld [tilespmem:s17+$0xD400]  }
0x3c9: {  	v6 =	vadd.f32 v7, v6  }
0x3ca: {  	v7 =	vld [tilespmem:s17+$0xD410]  }
0x3cb: {  	v6 =	vadd.f32 v38, v6  }
0x3cc: {  	v40 =	vld [tilespmem:s17+$0xD420]  }
0x3cd: {  	v6 =	vadd.f32 v39, v6  }
0x3ce: {  	v41 =	vld [tilespmem:s17+$0xD430]  }
0x3cf: {  	v6 =	vadd.f32 v7, v6  }
0x3d0: {  	v7 =	vld [tilespmem:s17+$0xD440]  }
0x3d1: {  	v6 =	vadd.f32 v40, v6  }
0x3d2: {  	v42 =	vld [tilespmem:s17+$0xD450]  }
0x3d3: {  	v6 =	vadd.f32 v41, v6  }
0x3d4: {  	v43 =	vld [tilespmem:s17+$0xD460]  }
0x3d5: {  	v6 =	vadd.f32 v7, v6  }
0x3d6: {  	v7 =	vld [tilespmem:s17+$0xD470]  }
0x3d7: {  	v6 =	vadd.f32 v42, v6  }
0x3d8: {  	v44 =	vor.u32 s16, v4  }
0x3d9: {  	v6 =	vadd.f32 v43, v6;
	_ =	sdelay $0x1  }
0x3da: {  	v6 =	vadd.f32 v7, v6;
	_ =	sdelay $0x1  }
0x3db: {  	[tilespmem:v44+s20+$0x0] =	vst.idx.msk $0xffff, v6  }
0x3dc: {  	v6 =	vld [tilespmem:$0x10800]  }
0x3dd: {  	v7 =	vld [tilespmem:$0x10820];
	_ =	sdelay $0x1  }
0x3de: {  	v8 =	vld [tilespmem:$0x10840];
	_ =	sdelay $0x1  }
0x3df: {  	v45 =	vld [tilespmem:$0x10860]  }
0x3e0: {  	v6 =	vadd.f32 v7, v6  }
0x3e1: {  	v7 =	vld [tilespmem:$0x10880]  }
0x3e2: {  	v6 =	vadd.f32 v8, v6  }
0x3e3: {  	v46 =	vld [tilespmem:$0x108A0]  }
0x3e4: {  	v6 =	vadd.f32 v45, v6  }
0x3e5: {  	v47 =	vld [tilespmem:$0x108C0]  }
0x3e6: {  	v6 =	vadd.f32 v7, v6  }
0x3e7: {  	v7 =	vld [tilespmem:$0x108E0]  }
0x3e8: {  	v6 =	vadd.f32 v46, v6  }
0x3e9: {  	v48 =	vld [tilespmem:$0x10900]  }
0x3ea: {  	v6 =	vadd.f32 v47, v6  }
0x3eb: {  	v49 =	vld [tilespmem:$0x10920]  }
0x3ec: {  	v6 =	vadd.f32 v7, v6  }
0x3ed: {  	v7 =	vld [tilespmem:$0x10940]  }
0x3ee: {  	v6 =	vadd.f32 v48, v6  }
0x3ef: {  	v50 =	vld [tilespmem:$0x10960]  }
0x3f0: {  	v6 =	vadd.f32 v49, v6  }
0x3f1: {  	v51 =	vld [tilespmem:$0x10980]  }
0x3f2: {  	v6 =	vadd.f32 v7, v6  }
0x3f3: {  	v7 =	vld [tilespmem:$0x109A0]  }
0x3f4: {  	v6 =	vadd.f32 v50, v6  }
0x3f5: {  	v52 =	vld [tilespmem:$0x109C0]  }
0x3f6: {  	v6 =	vadd.f32 v51, v6  }
0x3f7: {  	v53 =	vld [tilespmem:$0x109E0]  }
0x3f8: {  	v6 =	vadd.f32 v7, v6;
	_ =	sdelay $0x1  }
0x3f9: {  	v6 =	vadd.f32 v52, v6;
	_ =	sdelay $0x1  }
0x3fa: {  	v6 =	vadd.f32 v53, v6;
	_ =	sdelay $0x1  }
0x3fb: {  	vm1 =	vlt.f32 v6, $0.0e+00;
	vm2 =	vgt.f32 v6, $0.0e+00  }
0x3fc: {  	vm1 =	vmor vm2, vm1  }
0x3fd: {  	v6 =	vsel vm1, $0x1, v5  }
0x3fe: {  	[tilespmem:s15+$0x10A00] =	vst v6  }
0x3ff: {  	v6 =	vld [tilespmem:$0x10810]  }
0x400: {  	v7 =	vld [tilespmem:$0x10830];
	_ =	sdelay $0x1  }
0x401: {  	v54 =	vld [tilespmem:$0x10850];
	_ =	sdelay $0x1  }
0x402: {  	v55 =	vld [tilespmem:$0x10870]  }
0x403: {  	v6 =	vadd.f32 v7, v6  }
0x404: {  	v7 =	vld [tilespmem:$0x10890]  }
0x405: {  	v6 =	vadd.f32 v54, v6  }
0x406: {  	v56 =	vld [tilespmem:$0x108B0]  }
0x407: {  	v6 =	vadd.f32 v55, v6  }
0x408: {  	v57 =	vld [tilespmem:$0x108D0]  }
0x409: {  	v6 =	vadd.f32 v7, v6  }
0x40a: {  	v7 =	vld [tilespmem:$0x108F0]  }
0x40b: {  	v6 =	vadd.f32 v56, v6  }
0x40c: {  	v58 =	vld [tilespmem:$0x10910]  }
0x40d: {  	v6 =	vadd.f32 v57, v6  }
0x40e: {  	v59 =	vld [tilespmem:$0x10930]  }
0x40f: {  	v6 =	vadd.f32 v7, v6  }
0x410: {  	v7 =	vld [tilespmem:$0x10950]  }
0x411: {  	v6 =	vadd.f32 v58, v6  }
0x412: {  	v60 =	vld [tilespmem:$0x10970]  }
0x413: {  	v6 =	vadd.f32 v59, v6  }
0x414: {  	v61 =	vld [tilespmem:$0x10990]  }
0x415: {  	v6 =	vadd.f32 v7, v6  }
0x416: {  	v7 =	vld [tilespmem:$0x109B0]  }
0x417: {  	v6 =	vadd.f32 v60, v6  }
0x418: {  	v62 =	vld [tilespmem:$0x109D0]  }
0x419: {  	v6 =	vadd.f32 v61, v6  }
0x41a: {  	v63 =	vld [tilespmem:$0x109F0]  }
0x41b: {  	v6 =	vadd.f32 v7, v6;
	_ =	sdelay $0x1  }
0x41c: {  	v6 =	vadd.f32 v62, v6  }
0x41d: {  	s3 =	sadd.s32 $0x1, s3  }
0x41e: {  	p0 =	sne.s32 s3, $0x10;
	v6 =	vadd.f32 v63, v6  }
.Ltmp5:
0x41f: {  	_ = 	snop;
	(pc) =	sbr.rel @p0 .LBB2_4-.Ltmp5, $4  }
0x420: {  	vm1 =	vlt.f32 v6, $0.0e+00;
	vm2 =	vgt.f32 v6, $0.0e+00  }
0x421: {  	vm1 =	vmor vm2, vm1  }
0x422: {  	s28 =	sor.u32 $0x70, s15;
	v6 =	vsel vm1, $0x1, v5  }
0x423: {  	[tilespmem:s28+$0x10A00] =	vst v6  }
0x424: {  	s0 =	simm.s32 $0x7  }
0x425: {  	_ =	swait.ge [sflag:s0], $0x4000  }
0x426: {  	[sflag:s0] =	ssyncset.done $0x0  }
0x427: {  	s25 =	simm.s32 $0x8;
	[sflag:s0] =	ssyncadd.s32 $0xFFFFC000  }
0x428: {  	_ =	swait.ge [sflag:s25], $0x4000  }
0x429: {  	s15 =	simm.s32 $0x0;
	[sflag:s25] =	ssyncset.done $0x0  }
0x42a: {  	s3 =	simm.s32 $0x10A00;
	s26 =	rddreg [dreg:$0x5];
	[sflag:s25] =	ssyncadd.s32 $0xFFFFC000  }
0x42b: {  	[hbm4b:s26+s15] =	stream.linear.scatter [tilespmem:s3], [sflag:$0x9], $0x800, $0x38;
	[tilespmem:$0x11200] =	vst v63  }
0x42c: {  	s3 =	simm.s32 $0x9  }
0x42d: {  	_ =	swait.ge [sflag:s3], $0x800  }
0x42e: {  	s16 =	rddreg [dreg:$0x7]  }
0x42f: {  	s28 =	rddreg [dreg:$0x6];
	s16 =	sadd.s32 $0x1, s16  }
0x430: {  	p0 =	sne.s32 s16, s28  }
.Ltmp6:
0x431: {  	_ = 	snop;
	(pc) =	sbr.rel @p0 .LBB2_1-.Ltmp6, $3  }
0x432: {  	_ =	sdelay $0x1  }
0x433: {  	[sflag:s3] =	ssyncset.done $0x0  }
0x434: {  	[sflag:s3] =	ssyncadd.s32 $0xFFFFF800  }
0x435: {  	_ =	sfence.sel $0x180000  }
0x436: {  	[bflag:$0x0] =	sbarrier.arrive $0xFFFF  }
0x437: {  	_ =	strace $0x90000047  }
0x438: {  	s0 =	stileid.u32;
	[bflag:$0x2] =	sbarrier.arrive $0xFFFF  }
0x439: {  	p0 =	sne.s32 s0, $0x0;
	s0 =	rddreg [dreg:$0x3]  }
0x43a: {  	s0 =	sadd.s32 @!p0 $0x100000, s0  }
0x43b: {  	[sflag:s0] =	ssyncadd.tile.s32 @!p0 $0x1;
	_ =	shalt  }
.Lfunc_end2:
_tile_overlayer_lowered:
.L_overlay_start_2:
0x43c: {  	(tag) =	ssettag $0x2  }
0x43d: {  	s0 =	rddreg [dreg:$0x0];
	s2 =	stileid.u32  }
0x43e: {  	s1 =	rddreg [dreg:$0x1];
	p0 =	sne.s32 s2, $0x0  }
0x43f: {  	s3 =	rddreg [dreg:$0x2];
	[bflag:$0x3] =	sbarrier.arrive $0xFFFF;
	s2 =	simm.s32 @!p0 $0x1C09  }
0x440: {  	[timem:s3], [sflag:s2] =	dma.local @!p0 [hbm:s0], s1  }
0x441: {  	s0 =	simm.s32 @!p0 $0x9  }
0x442: {  	_ =	swait.ge @!p0 [sflag:s0], s1  }
0x443: {  	s1 =	ssub.s32 @!p0 $0x0, s1;
	[sflag:s0] =	ssyncset.done @!p0 $0x0  }
0x444: {  	[sflag:s0] =	ssyncadd.s32 @!p0 s1  }
0x445: {  	[bflag:$0x3] =	sbarrier.arrive $0xFFFF  }
0x446: {  	_ =	shalt  }

</sc_bundles>
